<compile_context>
chip_gen: v7x
topology: tpu7x:2x2x1
jax: 0.10.2.dev20260603
libtpu: 0.0.44.dev20260713+nightly
codegen_flags: <defaults>
</compile_context>

<pallas_src>
import functools

import jax
import jax.numpy as jnp
from jax import lax
from jax.experimental import pallas as pl
from jax.experimental.pallas import tpu as pltpu
from jax.experimental.pallas import tpu_sc as plsc

_NROWS = 16384
_NCOLS = 200
_L = 16


def _sc_energy_shift(spT, energies, self_energies):
    info = plsc.get_sparse_core_info()
    nw = info.num_cores * info.num_subcores
    rows_w = _NROWS // nw
    half = rows_w // 2
    hgroups = half // _L

    mesh = plsc.VectorSubcoreMesh(core_axis_name="c", subcore_axis_name="s")

    @functools.partial(
        pl.kernel,
        mesh=mesh,
        out_type=(
            jax.ShapeDtypeStruct((_NCOLS, _NROWS), jnp.int32),
            jax.ShapeDtypeStruct((_NROWS,), jnp.float32),
        ),
        compiler_params=pltpu.CompilerParams(needs_layout_passes=False),
        scratch_types=[
            pltpu.VMEM((_NCOLS, rows_w), jnp.int32),
            pltpu.VMEM((_L,), jnp.float32),
            pltpu.VMEM((_L * _L,), jnp.float32),
            pltpu.VMEM((rows_w,), jnp.float32),
            pltpu.VMEM((rows_w,), jnp.float32),
            pltpu.SemaphoreType.DMA,
            pltpu.SemaphoreType.DMA,
            pltpu.SemaphoreType.DMA,
            pltpu.SemaphoreType.DMA,
        ],
    )
    def k(spT_hbm, energies_hbm, se_hbm, spT_out_hbm, en_out_hbm,
          sp_v, se_v, serep_v, en_v, out_v, si0, si1, so0, so1):
        wid = lax.axis_index("s") * info.num_cores + lax.axis_index("c")
        rbase = wid * rows_w
        lanes = lax.iota(jnp.int32, _L)
        zeros = jnp.zeros((_L,), jnp.float32)

        ins = [
            pltpu.async_copy(
                spT_hbm.at[:, pl.ds(rbase + h * half, half)],
                sp_v.at[:, pl.ds(h * half, half)], sem)
            for h, sem in ((0, si0), (1, si1))
        ]
        se_v[...] = zeros
        pltpu.sync_copy(se_hbm, se_v.at[pl.ds(0, 8)])
        pltpu.sync_copy(energies_hbm.at[pl.ds(rbase, rows_w)], en_v)

        se16 = se_v[...]
        for v in range(_L):
            plsc.store_scatter(serep_v, [lanes * _L + v], se16)

        def group(g, carry):
            r0 = g * _L
            accs = [zeros for _ in range(4)]

            def chunk(b, accs):
                accs = list(accs)
                for u in range(40):
                    s = sp_v[b * 40 + u, pl.ds(r0, _L)]
                    a = lax.shift_left(s, 4) + lanes
                    accs[u % 4] = accs[u % 4] + plsc.load_gather(serep_v, [a])
                return tuple(accs)

            accs = lax.fori_loop(0, _NCOLS // 40, chunk, tuple(accs))
            acc = (accs[0] + accs[1]) + (accs[2] + accs[3])
            out_v[pl.ds(r0, _L)] = acc + en_v[pl.ds(r0, _L)]
            return carry

        outs = []
        for h, sem in ((0, so0), (1, so1)):
            ins[h].wait()
            outs.append(pltpu.async_copy(
                sp_v.at[:, pl.ds(h * half, half)],
                spT_out_hbm.at[:, pl.ds(rbase + h * half, half)], sem))
            lax.fori_loop(h * hgroups, (h + 1) * hgroups, group, 0)

        pltpu.sync_copy(out_v, en_out_hbm.at[pl.ds(rbase, rows_w)])
        for o in outs:
            o.wait()

    return k(spT, energies, self_energies)


def kernel(species, energies, self_energies):
    spT = species.astype(jnp.int32).T
    spT_out, new_energies = _sc_energy_shift(
        spT, energies.astype(jnp.float32), self_energies.astype(jnp.float32))
    return (spT_out.T.astype(species.dtype), new_energies)

# --- scband reference (transcript-rebuilt; emitter-appended) ---
"""Pipeline reference for scband-energy-shifter-45208825758167 (READ-ONLY COPY).

The authoritative reference and input builder live on the scoring server;
editing this copy changes nothing except your own understanding.
"""

import jax, jax.numpy as jnp
import numpy as np

SELF_ENERGIES = [-0.600952980000, -38.08316124000, -54.70775770000, -75.19446356000, -398.1577125000, -99.80348506000, -460.1681939000, -0.500607426000]
FIT_INTERCEPT = False


def setup_inputs(seed: int = 0) -> dict:
    key = jax.random.key(seed)
    k1, k2 = jax.random.split(key)
    species = jax.random.randint(k1, (16384, 200), 0, 8, dtype=jnp.int64 if jax.config.jax_enable_x64 else jnp.int32)
    energies = jax.random.normal(k2, (16384,), dtype=jnp.float32)
    self_energies = jnp.array(SELF_ENERGIES, dtype=jnp.float32)
    return {"species": species, "energies": energies, "self_energies": self_energies}


def reference(species, energies, self_energies):
    # sae: gather per-atom self energies, zero out padding atoms (species == -1), sum per molecule
    intercept = 0.0
    if FIT_INTERCEPT:
        intercept = self_energies[-1]
    se = jnp.take(self_energies, jnp.clip(species, 0, self_energies.shape[0] - 1), axis=0)
    se = jnp.where(species == -1, jnp.zeros_like(se), se)
    sae = se.sum(axis=1) + intercept
    # forward: (species, energies) -> (species, energies + sae)
    return (species, energies + sae)

if __name__ == "__main__":
    import jax
    _d = setup_inputs()
    print(jax.jit(kernel)(*tuple(_d.values())))

</pallas_src>

<mosaic_0001>
#map = affine_map<(d0, d1) -> (0, 0)>
#map1 = affine_map<(d0, d1) -> (0)>
module attributes {stable_mosaic.version = 14 : i64} {
  func.func @k(%arg0: i32, %arg1: i32, %arg2: memref<200x16384xi32, #tpu.memory_space<hbm>>, %arg3: memref<16384xf32, #tpu.memory_space<hbm>>, %arg4: memref<8xf32, #tpu.memory_space<hbm>>, %arg5: memref<200x16384xi32, #tpu.memory_space<hbm>>, %arg6: memref<16384xf32, #tpu.memory_space<hbm>>, %arg7: memref<200x512xi32, #tpu.memory_space<vmem>>, %arg8: memref<16xf32, #tpu.memory_space<vmem>>, %arg9: memref<256xf32, #tpu.memory_space<vmem>>, %arg10: memref<512xf32, #tpu.memory_space<vmem>>, %arg11: memref<512xf32, #tpu.memory_space<vmem>>, %arg12: memref<!tpu.dma_semaphore, #tpu.memory_space<semaphore_mem>>, %arg13: memref<!tpu.dma_semaphore, #tpu.memory_space<semaphore_mem>>, %arg14: memref<!tpu.dma_semaphore, #tpu.memory_space<semaphore_mem>>, %arg15: memref<!tpu.dma_semaphore, #tpu.memory_space<semaphore_mem>>) attributes {dimension_semantics = [#tpu.dimension_semantics<core_parallel>, #tpu.dimension_semantics<subcore_parallel>], iteration_bounds = array<i64: 2, 16>, scalar_prefetch = 0 : i64, scratch_operands = 9 : i64, tpu.core_type = #tpu.core_type<sc_vector_subcore>, window_params = [{transform_indices = #map}, {transform_indices = #map1}, {transform_indices = #map1}, {transform_indices = #map}, {transform_indices = #map1}]} {
    %mul3A = arith.constant 2 : i32
    %mul3A_0 = arith.muli %arg1, %mul3A : i32
    %add3A = arith.addi %mul3A_0, %arg0 : i32
    %mul3A_1 = arith.constant 512 : i32
    %mul3A_2 = arith.muli %add3A, %mul3A_1 : i32
    %iota3A = tpu.iota {dimensions = array<i32: 0>} : vector<16xi32>
    %broadcast_in_dim3A = arith.constant 0.000000e+00 : f32
    %broadcast_in_dim3A_3 = vector.broadcast %broadcast_in_dim3A : f32 to vector<16xf32>
    %add3A_4 = arith.constant 0 : i32
    %add3A_5 = arith.addi %mul3A_2, %add3A_4 : i32
    %dma_start3A = arith.constant 0 : i32
    %dma_start3A_6 = arith.constant 0 : i32
    %dma_start3A_7 = tpu.memref_slice %arg7[%dma_start3A, %dma_start3A_6] : memref<200x512xi32, #tpu.memory_space<vmem>> -> memref<200x256xi32, #tpu.memory_space<vmem>>
    %dma_start3A_8 = arith.constant 0 : i32
    %dma_start3A_9 = tpu.memref_slice %arg2[%dma_start3A_8, %add3A_5] : memref<200x16384xi32, #tpu.memory_space<hbm>> -> memref<200x256xi32, #tpu.memory_space<hbm>>
    %dma_start3A_10 = arith.constant 0 : i32
    %dma_start3A_11 = arith.constant 0 : i32
    %dma_start3A_12 = tpu.memref_slice %arg7[%dma_start3A_10, %dma_start3A_11] : memref<200x512xi32, #tpu.memory_space<vmem>> -> memref<200x256xi32, #tpu.memory_space<vmem>>
    %dma_start3A_13 = arith.constant 0 : i32
    %dma_start3A_14 = tpu.memref_slice %arg2[%dma_start3A_13, %add3A_5] : memref<200x16384xi32, #tpu.memory_space<hbm>> -> memref<200x256xi32, #tpu.memory_space<hbm>>
    tpu.enqueue_dma source(%dma_start3A_14 : memref<200x256xi32, #tpu.memory_space<hbm>>) target(%dma_start3A_12 : memref<200x256xi32, #tpu.memory_space<vmem>>) target_semaphore(%arg12 : memref<!tpu.dma_semaphore, #tpu.memory_space<semaphore_mem>>)
    %add3A_15 = arith.constant 256 : i32
    %add3A_16 = arith.addi %mul3A_2, %add3A_15 : i32
    %dma_start3A_17 = arith.constant 0 : i32
    %dma_start3A_18 = arith.constant 256 : i32
    %dma_start3A_19 = tpu.memref_slice %arg7[%dma_start3A_17, %dma_start3A_18] : memref<200x512xi32, #tpu.memory_space<vmem>> -> memref<200x256xi32, #tpu.memory_space<vmem>>
    %dma_start3A_20 = arith.constant 0 : i32
    %dma_start3A_21 = tpu.memref_slice %arg2[%dma_start3A_20, %add3A_16] : memref<200x16384xi32, #tpu.memory_space<hbm>> -> memref<200x256xi32, #tpu.memory_space<hbm>>
    %dma_start3A_22 = arith.constant 0 : i32
    %dma_start3A_23 = arith.constant 256 : i32
    %dma_start3A_24 = tpu.memref_slice %arg7[%dma_start3A_22, %dma_start3A_23] : memref<200x512xi32, #tpu.memory_space<vmem>> -> memref<200x256xi32, #tpu.memory_space<vmem>>
    %dma_start3A_25 = arith.constant 0 : i32
    %dma_start3A_26 = tpu.memref_slice %arg2[%dma_start3A_25, %add3A_16] : memref<200x16384xi32, #tpu.memory_space<hbm>> -> memref<200x256xi32, #tpu.memory_space<hbm>>
    tpu.enqueue_dma source(%dma_start3A_26 : memref<200x256xi32, #tpu.memory_space<hbm>>) target(%dma_start3A_24 : memref<200x256xi32, #tpu.memory_space<vmem>>) target_semaphore(%arg13 : memref<!tpu.dma_semaphore, #tpu.memory_space<semaphore_mem>>)
    %swap3A = arith.constant 0 : index
    %swap3A_27 = tpu.vector_load %arg8[%swap3A] {strides = array<i32>} : memref<16xf32, #tpu.memory_space<vmem>>, vector<16xf32>,
    tpu.vector_store %arg8[%swap3A], %broadcast_in_dim3A_3 {strides = array<i32>} : memref<16xf32, #tpu.memory_space<vmem>>, vector<16xf32>,
    "tpu.region"() ({
      %run_scoped3A = tpu.sem_alloc : memref<!tpu.dma_semaphore, #tpu.memory_space<semaphore_mem>>
      %dma_start3A_199 = arith.constant 0 : i32
      %dma_start3A_200 = tpu.memref_slice %arg8[%dma_start3A_199] : memref<16xf32, #tpu.memory_space<vmem>> -> memref<8xf32, #tpu.memory_space<vmem>>
      %dma_start3A_201 = arith.constant 0 : i32
      %dma_start3A_202 = tpu.memref_slice %arg8[%dma_start3A_201] : memref<16xf32, #tpu.memory_space<vmem>> -> memref<8xf32, #tpu.memory_space<vmem>>
      tpu.enqueue_dma source(%arg4 : memref<8xf32, #tpu.memory_space<hbm>>) target(%dma_start3A_202 : memref<8xf32, #tpu.memory_space<vmem>>) target_semaphore(%run_scoped3A : memref<!tpu.dma_semaphore, #tpu.memory_space<semaphore_mem>>)
      %dma_wait3A_203 = arith.constant 0 : i32
      %dma_wait3A_204 = tpu.memref_slice %arg8[%dma_wait3A_203] : memref<16xf32, #tpu.memory_space<vmem>> -> memref<8xf32, #tpu.memory_space<vmem>>
      %dma_wait3A_205 = arith.constant 0 : i32
      %dma_wait3A_206 = tpu.memref_slice %arg8[%dma_wait3A_205] : memref<16xf32, #tpu.memory_space<vmem>> -> memref<8xf32, #tpu.memory_space<vmem>>
      tpu.wait_dma2 semaphore(%run_scoped3A : memref<!tpu.dma_semaphore, #tpu.memory_space<semaphore_mem>>) src(%arg4 : memref<8xf32, #tpu.memory_space<hbm>>) dst(%dma_wait3A_206 : memref<8xf32, #tpu.memory_space<vmem>>)
      tpu.yield
    }) : () -> ()
    "tpu.region"() ({
      %run_scoped3A = tpu.sem_alloc : memref<!tpu.dma_semaphore, #tpu.memory_space<semaphore_mem>>
      %dma_start3A_199 = tpu.memref_slice %arg3[%mul3A_2] : memref<16384xf32, #tpu.memory_space<hbm>> -> memref<512xf32, #tpu.memory_space<hbm>>
      %dma_start3A_200 = tpu.memref_slice %arg3[%mul3A_2] : memref<16384xf32, #tpu.memory_space<hbm>> -> memref<512xf32, #tpu.memory_space<hbm>>
      tpu.enqueue_dma source(%dma_start3A_200 : memref<512xf32, #tpu.memory_space<hbm>>) target(%arg10 : memref<512xf32, #tpu.memory_space<vmem>>) target_semaphore(%run_scoped3A : memref<!tpu.dma_semaphore, #tpu.memory_space<semaphore_mem>>)
      %dma_wait3A_201 = tpu.memref_slice %arg3[%mul3A_2] : memref<16384xf32, #tpu.memory_space<hbm>> -> memref<512xf32, #tpu.memory_space<hbm>>
      %dma_wait3A_202 = tpu.memref_slice %arg3[%mul3A_2] : memref<16384xf32, #tpu.memory_space<hbm>> -> memref<512xf32, #tpu.memory_space<hbm>>
      tpu.wait_dma2 semaphore(%run_scoped3A : memref<!tpu.dma_semaphore, #tpu.memory_space<semaphore_mem>>) src(%dma_wait3A_202 : memref<512xf32, #tpu.memory_space<hbm>>) dst(%arg10 : memref<512xf32, #tpu.memory_space<vmem>>)
      tpu.yield
    }) : () -> ()
    %get3A = arith.constant 0 : index
    %get3A_28 = tpu.vector_load %arg8[%get3A] {strides = array<i32>} : memref<16xf32, #tpu.memory_space<vmem>>, vector<16xf32>,
    %mul3A_29 = arith.constant 16 : i32
    %mul3A_30 = vector.broadcast %mul3A_29 : i32 to vector<16xi32>
    %mul3A_31 = arith.muli %iota3A, %mul3A_30 : vector<16xi32>
    %add3A_32 = arith.constant 0 : i32
    %add3A_33 = vector.broadcast %add3A_32 : i32 to vector<16xi32>
    %add3A_34 = arith.addi %mul3A_31, %add3A_33 : vector<16xi32>
    tpu.vector_store_idx %arg9[%add3A_34], %get3A_28 : memref<256xf32, #tpu.memory_space<vmem>>[vector<16xi32>], vector<16xf32>,
    %mul3A_35 = arith.constant 16 : i32
    %mul3A_36 = vector.broadcast %mul3A_35 : i32 to vector<16xi32>
    %mul3A_37 = arith.muli %iota3A, %mul3A_36 : vector<16xi32>
    %add3A_38 = arith.constant 1 : i32
    %add3A_39 = vector.broadcast %add3A_38 : i32 to vector<16xi32>
    %add3A_40 = arith.addi %mul3A_37, %add3A_39 : vector<16xi32>
    tpu.vector_store_idx %arg9[%add3A_40], %get3A_28 : memref<256xf32, #tpu.memory_space<vmem>>[vector<16xi32>], vector<16xf32>,
    %mul3A_41 = arith.constant 16 : i32
    %mul3A_42 = vector.broadcast %mul3A_41 : i32 to vector<16xi32>
    %mul3A_43 = arith.muli %iota3A, %mul3A_42 : vector<16xi32>
    %add3A_44 = arith.constant 2 : i32
    %add3A_45 = vector.broadcast %add3A_44 : i32 to vector<16xi32>
    %add3A_46 = arith.addi %mul3A_43, %add3A_45 : vector<16xi32>
    tpu.vector_store_idx %arg9[%add3A_46], %get3A_28 : memref<256xf32, #tpu.memory_space<vmem>>[vector<16xi32>], vector<16xf32>,
    %mul3A_47 = arith.constant 16 : i32
    %mul3A_48 = vector.broadcast %mul3A_47 : i32 to vector<16xi32>
    %mul3A_49 = arith.muli %iota3A, %mul3A_48 : vector<16xi32>
    %add3A_50 = arith.constant 3 : i32
    %add3A_51 = vector.broadcast %add3A_50 : i32 to vector<16xi32>
    %add3A_52 = arith.addi %mul3A_49, %add3A_51 : vector<16xi32>
    tpu.vector_store_idx %arg9[%add3A_52], %get3A_28 : memref<256xf32, #tpu.memory_space<vmem>>[vector<16xi32>], vector<16xf32>,
    %mul3A_53 = arith.constant 16 : i32
    %mul3A_54 = vector.broadcast %mul3A_53 : i32 to vector<16xi32>
    %mul3A_55 = arith.muli %iota3A, %mul3A_54 : vector<16xi32>
    %add3A_56 = arith.constant 4 : i32
    %add3A_57 = vector.broadcast %add3A_56 : i32 to vector<16xi32>
    %add3A_58 = arith.addi %mul3A_55, %add3A_57 : vector<16xi32>
    tpu.vector_store_idx %arg9[%add3A_58], %get3A_28 : memref<256xf32, #tpu.memory_space<vmem>>[vector<16xi32>], vector<16xf32>,
    %mul3A_59 = arith.constant 16 : i32
    %mul3A_60 = vector.broadcast %mul3A_59 : i32 to vector<16xi32>
    %mul3A_61 = arith.muli %iota3A, %mul3A_60 : vector<16xi32>
    %add3A_62 = arith.constant 5 : i32
    %add3A_63 = vector.broadcast %add3A_62 : i32 to vector<16xi32>
    %add3A_64 = arith.addi %mul3A_61, %add3A_63 : vector<16xi32>
    tpu.vector_store_idx %arg9[%add3A_64], %get3A_28 : memref<256xf32, #tpu.memory_space<vmem>>[vector<16xi32>], vector<16xf32>,
    %mul3A_65 = arith.constant 16 : i32
    %mul3A_66 = vector.broadcast %mul3A_65 : i32 to vector<16xi32>
    %mul3A_67 = arith.muli %iota3A, %mul3A_66 : vector<16xi32>
    %add3A_68 = arith.constant 6 : i32
    %add3A_69 = vector.broadcast %add3A_68 : i32 to vector<16xi32>
    %add3A_70 = arith.addi %mul3A_67, %add3A_69 : vector<16xi32>
    tpu.vector_store_idx %arg9[%add3A_70], %get3A_28 : memref<256xf32, #tpu.memory_space<vmem>>[vector<16xi32>], vector<16xf32>,
    %mul3A_71 = arith.constant 16 : i32
    %mul3A_72 = vector.broadcast %mul3A_71 : i32 to vector<16xi32>
    %mul3A_73 = arith.muli %iota3A, %mul3A_72 : vector<16xi32>
    %add3A_74 = arith.constant 7 : i32
    %add3A_75 = vector.broadcast %add3A_74 : i32 to vector<16xi32>
    %add3A_76 = arith.addi %mul3A_73, %add3A_75 : vector<16xi32>
    tpu.vector_store_idx %arg9[%add3A_76], %get3A_28 : memref<256xf32, #tpu.memory_space<vmem>>[vector<16xi32>], vector<16xf32>,
    %mul3A_77 = arith.constant 16 : i32
    %mul3A_78 = vector.broadcast %mul3A_77 : i32 to vector<16xi32>
    %mul3A_79 = arith.muli %iota3A, %mul3A_78 : vector<16xi32>
    %add3A_80 = arith.constant 8 : i32
    %add3A_81 = vector.broadcast %add3A_80 : i32 to vector<16xi32>
    %add3A_82 = arith.addi %mul3A_79, %add3A_81 : vector<16xi32>
    tpu.vector_store_idx %arg9[%add3A_82], %get3A_28 : memref<256xf32, #tpu.memory_space<vmem>>[vector<16xi32>], vector<16xf32>,
    %mul3A_83 = arith.constant 16 : i32
    %mul3A_84 = vector.broadcast %mul3A_83 : i32 to vector<16xi32>
    %mul3A_85 = arith.muli %iota3A, %mul3A_84 : vector<16xi32>
    %add3A_86 = arith.constant 9 : i32
    %add3A_87 = vector.broadcast %add3A_86 : i32 to vector<16xi32>
    %add3A_88 = arith.addi %mul3A_85, %add3A_87 : vector<16xi32>
    tpu.vector_store_idx %arg9[%add3A_88], %get3A_28 : memref<256xf32, #tpu.memory_space<vmem>>[vector<16xi32>], vector<16xf32>,
    %mul3A_89 = arith.constant 16 : i32
    %mul3A_90 = vector.broadcast %mul3A_89 : i32 to vector<16xi32>
    %mul3A_91 = arith.muli %iota3A, %mul3A_90 : vector<16xi32>
    %add3A_92 = arith.constant 10 : i32
    %add3A_93 = vector.broadcast %add3A_92 : i32 to vector<16xi32>
    %add3A_94 = arith.addi %mul3A_91, %add3A_93 : vector<16xi32>
    tpu.vector_store_idx %arg9[%add3A_94], %get3A_28 : memref<256xf32, #tpu.memory_space<vmem>>[vector<16xi32>], vector<16xf32>,
    %mul3A_95 = arith.constant 16 : i32
    %mul3A_96 = vector.broadcast %mul3A_95 : i32 to vector<16xi32>
    %mul3A_97 = arith.muli %iota3A, %mul3A_96 : vector<16xi32>
    %add3A_98 = arith.constant 11 : i32
    %add3A_99 = vector.broadcast %add3A_98 : i32 to vector<16xi32>
    %add3A_100 = arith.addi %mul3A_97, %add3A_99 : vector<16xi32>
    tpu.vector_store_idx %arg9[%add3A_100], %get3A_28 : memref<256xf32, #tpu.memory_space<vmem>>[vector<16xi32>], vector<16xf32>,
    %mul3A_101 = arith.constant 16 : i32
    %mul3A_102 = vector.broadcast %mul3A_101 : i32 to vector<16xi32>
    %mul3A_103 = arith.muli %iota3A, %mul3A_102 : vector<16xi32>
    %add3A_104 = arith.constant 12 : i32
    %add3A_105 = vector.broadcast %add3A_104 : i32 to vector<16xi32>
    %add3A_106 = arith.addi %mul3A_103, %add3A_105 : vector<16xi32>
    tpu.vector_store_idx %arg9[%add3A_106], %get3A_28 : memref<256xf32, #tpu.memory_space<vmem>>[vector<16xi32>], vector<16xf32>,
    %mul3A_107 = arith.constant 16 : i32
    %mul3A_108 = vector.broadcast %mul3A_107 : i32 to vector<16xi32>
    %mul3A_109 = arith.muli %iota3A, %mul3A_108 : vector<16xi32>
    %add3A_110 = arith.constant 13 : i32
    %add3A_111 = vector.broadcast %add3A_110 : i32 to vector<16xi32>
    %add3A_112 = arith.addi %mul3A_109, %add3A_111 : vector<16xi32>
    tpu.vector_store_idx %arg9[%add3A_112], %get3A_28 : memref<256xf32, #tpu.memory_space<vmem>>[vector<16xi32>], vector<16xf32>,
    %mul3A_113 = arith.constant 16 : i32
    %mul3A_114 = vector.broadcast %mul3A_113 : i32 to vector<16xi32>
    %mul3A_115 = arith.muli %iota3A, %mul3A_114 : vector<16xi32>
    %add3A_116 = arith.constant 14 : i32
    %add3A_117 = vector.broadcast %add3A_116 : i32 to vector<16xi32>
    %add3A_118 = arith.addi %mul3A_115, %add3A_117 : vector<16xi32>
    tpu.vector_store_idx %arg9[%add3A_118], %get3A_28 : memref<256xf32, #tpu.memory_space<vmem>>[vector<16xi32>], vector<16xf32>,
    %mul3A_119 = arith.constant 16 : i32
    %mul3A_120 = vector.broadcast %mul3A_119 : i32 to vector<16xi32>
    %mul3A_121 = arith.muli %iota3A, %mul3A_120 : vector<16xi32>
    %add3A_122 = arith.constant 15 : i32
    %add3A_123 = vector.broadcast %add3A_122 : i32 to vector<16xi32>
    %add3A_124 = arith.addi %mul3A_121, %add3A_123 : vector<16xi32>
    tpu.vector_store_idx %arg9[%add3A_124], %get3A_28 : memref<256xf32, #tpu.memory_space<vmem>>[vector<16xi32>], vector<16xf32>,
    %dma_wait3A = arith.constant 0 : i32
    %dma_wait3A_125 = arith.constant 0 : i32
    %dma_wait3A_126 = tpu.memref_slice %arg7[%dma_wait3A, %dma_wait3A_125] : memref<200x512xi32, #tpu.memory_space<vmem>> -> memref<200x256xi32, #tpu.memory_space<vmem>>
    %dma_wait3A_127 = arith.constant 0 : i32
    %dma_wait3A_128 = tpu.memref_slice %arg2[%dma_wait3A_127, %add3A_5] : memref<200x16384xi32, #tpu.memory_space<hbm>> -> memref<200x256xi32, #tpu.memory_space<hbm>>
    %dma_wait3A_129 = arith.constant 0 : i32
    %dma_wait3A_130 = arith.constant 0 : i32
    %dma_wait3A_131 = tpu.memref_slice %arg7[%dma_wait3A_129, %dma_wait3A_130] : memref<200x512xi32, #tpu.memory_space<vmem>> -> memref<200x256xi32, #tpu.memory_space<vmem>>
    %dma_wait3A_132 = arith.constant 0 : i32
    %dma_wait3A_133 = tpu.memref_slice %arg2[%dma_wait3A_132, %add3A_5] : memref<200x16384xi32, #tpu.memory_space<hbm>> -> memref<200x256xi32, #tpu.memory_space<hbm>>
    tpu.wait_dma2 semaphore(%arg12 : memref<!tpu.dma_semaphore, #tpu.memory_space<semaphore_mem>>) src(%dma_wait3A_133 : memref<200x256xi32, #tpu.memory_space<hbm>>) dst(%dma_wait3A_131 : memref<200x256xi32, #tpu.memory_space<vmem>>)
    %add3A_134 = arith.constant 0 : i32
    %add3A_135 = arith.addi %mul3A_2, %add3A_134 : i32
    %dma_start3A_136 = arith.constant 0 : i32
    %dma_start3A_137 = arith.constant 0 : i32
    %dma_start3A_138 = tpu.memref_slice %arg7[%dma_start3A_136, %dma_start3A_137] : memref<200x512xi32, #tpu.memory_space<vmem>> -> memref<200x256xi32, #tpu.memory_space<vmem>>
    %dma_start3A_139 = arith.constant 0 : i32
    %dma_start3A_140 = tpu.memref_slice %arg5[%dma_start3A_139, %add3A_135] : memref<200x16384xi32, #tpu.memory_space<hbm>> -> memref<200x256xi32, #tpu.memory_space<hbm>>
    %dma_start3A_141 = arith.constant 0 : i32
    %dma_start3A_142 = tpu.memref_slice %arg5[%dma_start3A_141, %add3A_135] : memref<200x16384xi32, #tpu.memory_space<hbm>> -> memref<200x256xi32, #tpu.memory_space<hbm>>
    %dma_start3A_143 = arith.constant 0 : i32
    %dma_start3A_144 = arith.constant 0 : i32
    %dma_start3A_145 = tpu.memref_slice %arg7[%dma_start3A_143, %dma_start3A_144] : memref<200x512xi32, #tpu.memory_space<vmem>> -> memref<200x256xi32, #tpu.memory_space<vmem>>
    tpu.enqueue_dma source(%dma_start3A_145 : memref<200x256xi32, #tpu.memory_space<vmem>>) target(%dma_start3A_142 : memref<200x256xi32, #tpu.memory_space<hbm>>) target_semaphore(%arg14 : memref<!tpu.dma_semaphore, #tpu.memory_space<semaphore_mem>>)
    %scan3A = arith.constant 0 : i32
    %scan3A_146 = arith.constant 0 : i32
    %scan3A_147 = arith.constant 16 : i32
    %scan3A_148 = arith.addi %scan3A_146, %scan3A_147 : i32
    %scan3A_149 = arith.constant 1 : i32
    scf.for %scan3A_199 = %scan3A_146 to %scan3A_148 step %scan3A_149  : i32 {
      %mul3A_200 = arith.constant 16 : i32
      %mul3A_201 = arith.muli %scan3A_199, %mul3A_200 : i32
      %scan3A_202 = arith.constant 0 : i32
      %scan3A_203 = arith.constant 5 : i32
      %scan3A_204 = arith.addi %scan3A_202, %scan3A_203 : i32
      %scan3A_205 = arith.constant 1 : i32
      %scan3A_206:4 = scf.for %scan3A_216 = %scan3A_202 to %scan3A_204 step %scan3A_205 iter_args(%scan3A_217 = %broadcast_in_dim3A_3, %scan3A_218 = %broadcast_in_dim3A_3, %scan3A_219 = %broadcast_in_dim3A_3, %scan3A_220 = %broadcast_in_dim3A_3) -> (vector<16xf32>, vector<16xf32>, vector<16xf32>, vector<16xf32>)  : i32 {
        %mul3A_221 = arith.constant 40 : i32
        %mul3A_222 = arith.muli %scan3A_216, %mul3A_221 : i32
        %add3A_223 = arith.constant 0 : i32
        %add3A_224 = arith.addi %mul3A_222, %add3A_223 : i32
        %get3A_225 = arith.index_cast %add3A_224 : i32 to index
        %get3A_226 = arith.index_cast %mul3A_201 : i32 to index
        %get3A_227 = tpu.vector_load %arg7[%get3A_225, %get3A_226] {strides = array<i32>} : memref<200x512xi32, #tpu.memory_space<vmem>>, vector<16xi32>,
        %shift_left3A = arith.constant 4 : i32
        %shift_left3A_228 = vector.broadcast %shift_left3A : i32 to vector<16xi32>
        %shift_left3A_229 = arith.shli %get3A_227, %shift_left3A_228 : vector<16xi32>
        %add3A_230 = arith.addi %shift_left3A_229, %iota3A : vector<16xi32>
        %gather3A = tpu.vector_load_idx %arg9[%add3A_230] : memref<256xf32, #tpu.memory_space<vmem>>[vector<16xi32>], vector<16xf32>,
        %add3A_231 = arith.addf %scan3A_217, %gather3A : vector<16xf32>
        %mul3A_232 = arith.constant 40 : i32
        %mul3A_233 = arith.muli %scan3A_216, %mul3A_232 : i32
        %add3A_234 = arith.constant 1 : i32
        %add3A_235 = arith.addi %mul3A_233, %add3A_234 : i32
        %get3A_236 = arith.index_cast %add3A_235 : i32 to index
        %get3A_237 = arith.index_cast %mul3A_201 : i32 to index
        %get3A_238 = tpu.vector_load %arg7[%get3A_236, %get3A_237] {strides = array<i32>} : memref<200x512xi32, #tpu.memory_space<vmem>>, vector<16xi32>,
        %shift_left3A_239 = arith.constant 4 : i32
        %shift_left3A_240 = vector.broadcast %shift_left3A_239 : i32 to vector<16xi32>
        %shift_left3A_241 = arith.shli %get3A_238, %shift_left3A_240 : vector<16xi32>
        %add3A_242 = arith.addi %shift_left3A_241, %iota3A : vector<16xi32>
        %gather3A_243 = tpu.vector_load_idx %arg9[%add3A_242] : memref<256xf32, #tpu.memory_space<vmem>>[vector<16xi32>], vector<16xf32>,
        %add3A_244 = arith.addf %scan3A_218, %gather3A_243 : vector<16xf32>
        %mul3A_245 = arith.constant 40 : i32
        %mul3A_246 = arith.muli %scan3A_216, %mul3A_245 : i32
        %add3A_247 = arith.constant 2 : i32
        %add3A_248 = arith.addi %mul3A_246, %add3A_247 : i32
        %get3A_249 = arith.index_cast %add3A_248 : i32 to index
        %get3A_250 = arith.index_cast %mul3A_201 : i32 to index
        %get3A_251 = tpu.vector_load %arg7[%get3A_249, %get3A_250] {strides = array<i32>} : memref<200x512xi32, #tpu.memory_space<vmem>>, vector<16xi32>,
        %shift_left3A_252 = arith.constant 4 : i32
        %shift_left3A_253 = vector.broadcast %shift_left3A_252 : i32 to vector<16xi32>
        %shift_left3A_254 = arith.shli %get3A_251, %shift_left3A_253 : vector<16xi32>
        %add3A_255 = arith.addi %shift_left3A_254, %iota3A : vector<16xi32>
        %gather3A_256 = tpu.vector_load_idx %arg9[%add3A_255] : memref<256xf32, #tpu.memory_space<vmem>>[vector<16xi32>], vector<16xf32>,
        %add3A_257 = arith.addf %scan3A_219, %gather3A_256 : vector<16xf32>
        %mul3A_258 = arith.constant 40 : i32
        %mul3A_259 = arith.muli %scan3A_216, %mul3A_258 : i32
        %add3A_260 = arith.constant 3 : i32
        %add3A_261 = arith.addi %mul3A_259, %add3A_260 : i32
        %get3A_262 = arith.index_cast %add3A_261 : i32 to index
        %get3A_263 = arith.index_cast %mul3A_201 : i32 to index
        %get3A_264 = tpu.vector_load %arg7[%get3A_262, %get3A_263] {strides = array<i32>} : memref<200x512xi32, #tpu.memory_space<vmem>>, vector<16xi32>,
        %shift_left3A_265 = arith.constant 4 : i32
        %shift_left3A_266 = vector.broadcast %shift_left3A_265 : i32 to vector<16xi32>
        %shift_left3A_267 = arith.shli %get3A_264, %shift_left3A_266 : vector<16xi32>
        %add3A_268 = arith.addi %shift_left3A_267, %iota3A : vector<16xi32>
        %gather3A_269 = tpu.vector_load_idx %arg9[%add3A_268] : memref<256xf32, #tpu.memory_space<vmem>>[vector<16xi32>], vector<16xf32>,
        %add3A_270 = arith.addf %scan3A_220, %gather3A_269 : vector<16xf32>
        %mul3A_271 = arith.constant 40 : i32
        %mul3A_272 = arith.muli %scan3A_216, %mul3A_271 : i32
        %add3A_273 = arith.constant 4 : i32
        %add3A_274 = arith.addi %mul3A_272, %add3A_273 : i32
        %get3A_275 = arith.index_cast %add3A_274 : i32 to index
        %get3A_276 = arith.index_cast %mul3A_201 : i32 to index
        %get3A_277 = tpu.vector_load %arg7[%get3A_275, %get3A_276] {strides = array<i32>} : memref<200x512xi32, #tpu.memory_space<vmem>>, vector<16xi32>,
        %shift_left3A_278 = arith.constant 4 : i32
        %shift_left3A_279 = vector.broadcast %shift_left3A_278 : i32 to vector<16xi32>
        %shift_left3A_280 = arith.shli %get3A_277, %shift_left3A_279 : vector<16xi32>
        %add3A_281 = arith.addi %shift_left3A_280, %iota3A : vector<16xi32>
        %gather3A_282 = tpu.vector_load_idx %arg9[%add3A_281] : memref<256xf32, #tpu.memory_space<vmem>>[vector<16xi32>], vector<16xf32>,
        %add3A_283 = arith.addf %add3A_231, %gather3A_282 : vector<16xf32>
        %mul3A_284 = arith.constant 40 : i32
        %mul3A_285 = arith.muli %scan3A_216, %mul3A_284 : i32
        %add3A_286 = arith.constant 5 : i32
        %add3A_287 = arith.addi %mul3A_285, %add3A_286 : i32
        %get3A_288 = arith.index_cast %add3A_287 : i32 to index
        %get3A_289 = arith.index_cast %mul3A_201 : i32 to index
        %get3A_290 = tpu.vector_load %arg7[%get3A_288, %get3A_289] {strides = array<i32>} : memref<200x512xi32, #tpu.memory_space<vmem>>, vector<16xi32>,
        %shift_left3A_291 = arith.constant 4 : i32
        %shift_left3A_292 = vector.broadcast %shift_left3A_291 : i32 to vector<16xi32>
        %shift_left3A_293 = arith.shli %get3A_290, %shift_left3A_292 : vector<16xi32>
        %add3A_294 = arith.addi %shift_left3A_293, %iota3A : vector<16xi32>
        %gather3A_295 = tpu.vector_load_idx %arg9[%add3A_294] : memref<256xf32, #tpu.memory_space<vmem>>[vector<16xi32>], vector<16xf32>,
        %add3A_296 = arith.addf %add3A_244, %gather3A_295 : vector<16xf32>
        %mul3A_297 = arith.constant 40 : i32
        %mul3A_298 = arith.muli %scan3A_216, %mul3A_297 : i32
        %add3A_299 = arith.constant 6 : i32
        %add3A_300 = arith.addi %mul3A_298, %add3A_299 : i32
        %get3A_301 = arith.index_cast %add3A_300 : i32 to index
        %get3A_302 = arith.index_cast %mul3A_201 : i32 to index
        %get3A_303 = tpu.vector_load %arg7[%get3A_301, %get3A_302] {strides = array<i32>} : memref<200x512xi32, #tpu.memory_space<vmem>>, vector<16xi32>,
        %shift_left3A_304 = arith.constant 4 : i32
        %shift_left3A_305 = vector.broadcast %shift_left3A_304 : i32 to vector<16xi32>
        %shift_left3A_306 = arith.shli %get3A_303, %shift_left3A_305 : vector<16xi32>
        %add3A_307 = arith.addi %shift_left3A_306, %iota3A : vector<16xi32>
        %gather3A_308 = tpu.vector_load_idx %arg9[%add3A_307] : memref<256xf32, #tpu.memory_space<vmem>>[vector<16xi32>], vector<16xf32>,
        %add3A_309 = arith.addf %add3A_257, %gather3A_308 : vector<16xf32>
        %mul3A_310 = arith.constant 40 : i32
        %mul3A_311 = arith.muli %scan3A_216, %mul3A_310 : i32
        %add3A_312 = arith.constant 7 : i32
        %add3A_313 = arith.addi %mul3A_311, %add3A_312 : i32
        %get3A_314 = arith.index_cast %add3A_313 : i32 to index
        %get3A_315 = arith.index_cast %mul3A_201 : i32 to index
        %get3A_316 = tpu.vector_load %arg7[%get3A_314, %get3A_315] {strides = array<i32>} : memref<200x512xi32, #tpu.memory_space<vmem>>, vector<16xi32>,
        %shift_left3A_317 = arith.constant 4 : i32
        %shift_left3A_318 = vector.broadcast %shift_left3A_317 : i32 to vector<16xi32>
        %shift_left3A_319 = arith.shli %get3A_316, %shift_left3A_318 : vector<16xi32>
        %add3A_320 = arith.addi %shift_left3A_319, %iota3A : vector<16xi32>
        %gather3A_321 = tpu.vector_load_idx %arg9[%add3A_320] : memref<256xf32, #tpu.memory_space<vmem>>[vector<16xi32>], vector<16xf32>,
        %add3A_322 = arith.addf %add3A_270, %gather3A_321 : vector<16xf32>
        %mul3A_323 = arith.constant 40 : i32
        %mul3A_324 = arith.muli %scan3A_216, %mul3A_323 : i32
        %add3A_325 = arith.constant 8 : i32
        %add3A_326 = arith.addi %mul3A_324, %add3A_325 : i32
        %get3A_327 = arith.index_cast %add3A_326 : i32 to index
        %get3A_328 = arith.index_cast %mul3A_201 : i32 to index
        %get3A_329 = tpu.vector_load %arg7[%get3A_327, %get3A_328] {strides = array<i32>} : memref<200x512xi32, #tpu.memory_space<vmem>>, vector<16xi32>,
        %shift_left3A_330 = arith.constant 4 : i32
        %shift_left3A_331 = vector.broadcast %shift_left3A_330 : i32 to vector<16xi32>
        %shift_left3A_332 = arith.shli %get3A_329, %shift_left3A_331 : vector<16xi32>
        %add3A_333 = arith.addi %shift_left3A_332, %iota3A : vector<16xi32>
        %gather3A_334 = tpu.vector_load_idx %arg9[%add3A_333] : memref<256xf32, #tpu.memory_space<vmem>>[vector<16xi32>], vector<16xf32>,
        %add3A_335 = arith.addf %add3A_283, %gather3A_334 : vector<16xf32>
        %mul3A_336 = arith.constant 40 : i32
        %mul3A_337 = arith.muli %scan3A_216, %mul3A_336 : i32
        %add3A_338 = arith.constant 9 : i32
        %add3A_339 = arith.addi %mul3A_337, %add3A_338 : i32
        %get3A_340 = arith.index_cast %add3A_339 : i32 to index
        %get3A_341 = arith.index_cast %mul3A_201 : i32 to index
        %get3A_342 = tpu.vector_load %arg7[%get3A_340, %get3A_341] {strides = array<i32>} : memref<200x512xi32, #tpu.memory_space<vmem>>, vector<16xi32>,
        %shift_left3A_343 = arith.constant 4 : i32
        %shift_left3A_344 = vector.broadcast %shift_left3A_343 : i32 to vector<16xi32>
        %shift_left3A_345 = arith.shli %get3A_342, %shift_left3A_344 : vector<16xi32>
        %add3A_346 = arith.addi %shift_left3A_345, %iota3A : vector<16xi32>
        %gather3A_347 = tpu.vector_load_idx %arg9[%add3A_346] : memref<256xf32, #tpu.memory_space<vmem>>[vector<16xi32>], vector<16xf32>,
        %add3A_348 = arith.addf %add3A_296, %gather3A_347 : vector<16xf32>
        %mul3A_349 = arith.constant 40 : i32
        %mul3A_350 = arith.muli %scan3A_216, %mul3A_349 : i32
        %add3A_351 = arith.constant 10 : i32
        %add3A_352 = arith.addi %mul3A_350, %add3A_351 : i32
        %get3A_353 = arith.index_cast %add3A_352 : i32 to index
        %get3A_354 = arith.index_cast %mul3A_201 : i32 to index
        %get3A_355 = tpu.vector_load %arg7[%get3A_353, %get3A_354] {strides = array<i32>} : memref<200x512xi32, #tpu.memory_space<vmem>>, vector<16xi32>,
        %shift_left3A_356 = arith.constant 4 : i32
        %shift_left3A_357 = vector.broadcast %shift_left3A_356 : i32 to vector<16xi32>
        %shift_left3A_358 = arith.shli %get3A_355, %shift_left3A_357 : vector<16xi32>
        %add3A_359 = arith.addi %shift_left3A_358, %iota3A : vector<16xi32>
        %gather3A_360 = tpu.vector_load_idx %arg9[%add3A_359] : memref<256xf32, #tpu.memory_space<vmem>>[vector<16xi32>], vector<16xf32>,
        %add3A_361 = arith.addf %add3A_309, %gather3A_360 : vector<16xf32>
        %mul3A_362 = arith.constant 40 : i32
        %mul3A_363 = arith.muli %scan3A_216, %mul3A_362 : i32
        %add3A_364 = arith.constant 11 : i32
        %add3A_365 = arith.addi %mul3A_363, %add3A_364 : i32
        %get3A_366 = arith.index_cast %add3A_365 : i32 to index
        %get3A_367 = arith.index_cast %mul3A_201 : i32 to index
        %get3A_368 = tpu.vector_load %arg7[%get3A_366, %get3A_367] {strides = array<i32>} : memref<200x512xi32, #tpu.memory_space<vmem>>, vector<16xi32>,
        %shift_left3A_369 = arith.constant 4 : i32
        %shift_left3A_370 = vector.broadcast %shift_left3A_369 : i32 to vector<16xi32>
        %shift_left3A_371 = arith.shli %get3A_368, %shift_left3A_370 : vector<16xi32>
        %add3A_372 = arith.addi %shift_left3A_371, %iota3A : vector<16xi32>
        %gather3A_373 = tpu.vector_load_idx %arg9[%add3A_372] : memref<256xf32, #tpu.memory_space<vmem>>[vector<16xi32>], vector<16xf32>,
        %add3A_374 = arith.addf %add3A_322, %gather3A_373 : vector<16xf32>
        %mul3A_375 = arith.constant 40 : i32
        %mul3A_376 = arith.muli %scan3A_216, %mul3A_375 : i32
        %add3A_377 = arith.constant 12 : i32
        %add3A_378 = arith.addi %mul3A_376, %add3A_377 : i32
        %get3A_379 = arith.index_cast %add3A_378 : i32 to index
        %get3A_380 = arith.index_cast %mul3A_201 : i32 to index
        %get3A_381 = tpu.vector_load %arg7[%get3A_379, %get3A_380] {strides = array<i32>} : memref<200x512xi32, #tpu.memory_space<vmem>>, vector<16xi32>,
        %shift_left3A_382 = arith.constant 4 : i32
        %shift_left3A_383 = vector.broadcast %shift_left3A_382 : i32 to vector<16xi32>
        %shift_left3A_384 = arith.shli %get3A_381, %shift_left3A_383 : vector<16xi32>
        %add3A_385 = arith.addi %shift_left3A_384, %iota3A : vector<16xi32>
        %gather3A_386 = tpu.vector_load_idx %arg9[%add3A_385] : memref<256xf32, #tpu.memory_space<vmem>>[vector<16xi32>], vector<16xf32>,
        %add3A_387 = arith.addf %add3A_335, %gather3A_386 : vector<16xf32>
        %mul3A_388 = arith.constant 40 : i32
        %mul3A_389 = arith.muli %scan3A_216, %mul3A_388 : i32
        %add3A_390 = arith.constant 13 : i32
        %add3A_391 = arith.addi %mul3A_389, %add3A_390 : i32
        %get3A_392 = arith.index_cast %add3A_391 : i32 to index
        %get3A_393 = arith.index_cast %mul3A_201 : i32 to index
        %get3A_394 = tpu.vector_load %arg7[%get3A_392, %get3A_393] {strides = array<i32>} : memref<200x512xi32, #tpu.memory_space<vmem>>, vector<16xi32>,
        %shift_left3A_395 = arith.constant 4 : i32
        %shift_left3A_396 = vector.broadcast %shift_left3A_395 : i32 to vector<16xi32>
        %shift_left3A_397 = arith.shli %get3A_394, %shift_left3A_396 : vector<16xi32>
        %add3A_398 = arith.addi %shift_left3A_397, %iota3A : vector<16xi32>
        %gather3A_399 = tpu.vector_load_idx %arg9[%add3A_398] : memref<256xf32, #tpu.memory_space<vmem>>[vector<16xi32>], vector<16xf32>,
        %add3A_400 = arith.addf %add3A_348, %gather3A_399 : vector<16xf32>
        %mul3A_401 = arith.constant 40 : i32
        %mul3A_402 = arith.muli %scan3A_216, %mul3A_401 : i32
        %add3A_403 = arith.constant 14 : i32
        %add3A_404 = arith.addi %mul3A_402, %add3A_403 : i32
        %get3A_405 = arith.index_cast %add3A_404 : i32 to index
        %get3A_406 = arith.index_cast %mul3A_201 : i32 to index
        %get3A_407 = tpu.vector_load %arg7[%get3A_405, %get3A_406] {strides = array<i32>} : memref<200x512xi32, #tpu.memory_space<vmem>>, vector<16xi32>,
        %shift_left3A_408 = arith.constant 4 : i32
        %shift_left3A_409 = vector.broadcast %shift_left3A_408 : i32 to vector<16xi32>
        %shift_left3A_410 = arith.shli %get3A_407, %shift_left3A_409 : vector<16xi32>
        %add3A_411 = arith.addi %shift_left3A_410, %iota3A : vector<16xi32>
        %gather3A_412 = tpu.vector_load_idx %arg9[%add3A_411] : memref<256xf32, #tpu.memory_space<vmem>>[vector<16xi32>], vector<16xf32>,
        %add3A_413 = arith.addf %add3A_361, %gather3A_412 : vector<16xf32>
        %mul3A_414 = arith.constant 40 : i32
        %mul3A_415 = arith.muli %scan3A_216, %mul3A_414 : i32
        %add3A_416 = arith.constant 15 : i32
        %add3A_417 = arith.addi %mul3A_415, %add3A_416 : i32
        %get3A_418 = arith.index_cast %add3A_417 : i32 to index
        %get3A_419 = arith.index_cast %mul3A_201 : i32 to index
        %get3A_420 = tpu.vector_load %arg7[%get3A_418, %get3A_419] {strides = array<i32>} : memref<200x512xi32, #tpu.memory_space<vmem>>, vector<16xi32>,
        %shift_left3A_421 = arith.constant 4 : i32
        %shift_left3A_422 = vector.broadcast %shift_left3A_421 : i32 to vector<16xi32>
        %shift_left3A_423 = arith.shli %get3A_420, %shift_left3A_422 : vector<16xi32>
        %add3A_424 = arith.addi %shift_left3A_423, %iota3A : vector<16xi32>
        %gather3A_425 = tpu.vector_load_idx %arg9[%add3A_424] : memref<256xf32, #tpu.memory_space<vmem>>[vector<16xi32>], vector<16xf32>,
        %add3A_426 = arith.addf %add3A_374, %gather3A_425 : vector<16xf32>
        %mul3A_427 = arith.constant 40 : i32
        %mul3A_428 = arith.muli %scan3A_216, %mul3A_427 : i32
        %add3A_429 = arith.constant 16 : i32
        %add3A_430 = arith.addi %mul3A_428, %add3A_429 : i32
        %get3A_431 = arith.index_cast %add3A_430 : i32 to index
        %get3A_432 = arith.index_cast %mul3A_201 : i32 to index
        %get3A_433 = tpu.vector_load %arg7[%get3A_431, %get3A_432] {strides = array<i32>} : memref<200x512xi32, #tpu.memory_space<vmem>>, vector<16xi32>,
        %shift_left3A_434 = arith.constant 4 : i32
        %shift_left3A_435 = vector.broadcast %shift_left3A_434 : i32 to vector<16xi32>
        %shift_left3A_436 = arith.shli %get3A_433, %shift_left3A_435 : vector<16xi32>
        %add3A_437 = arith.addi %shift_left3A_436, %iota3A : vector<16xi32>
        %gather3A_438 = tpu.vector_load_idx %arg9[%add3A_437] : memref<256xf32, #tpu.memory_space<vmem>>[vector<16xi32>], vector<16xf32>,
        %add3A_439 = arith.addf %add3A_387, %gather3A_438 : vector<16xf32>
        %mul3A_440 = arith.constant 40 : i32
        %mul3A_441 = arith.muli %scan3A_216, %mul3A_440 : i32
        %add3A_442 = arith.constant 17 : i32
        %add3A_443 = arith.addi %mul3A_441, %add3A_442 : i32
        %get3A_444 = arith.index_cast %add3A_443 : i32 to index
        %get3A_445 = arith.index_cast %mul3A_201 : i32 to index
        %get3A_446 = tpu.vector_load %arg7[%get3A_444, %get3A_445] {strides = array<i32>} : memref<200x512xi32, #tpu.memory_space<vmem>>, vector<16xi32>,
        %shift_left3A_447 = arith.constant 4 : i32
        %shift_left3A_448 = vector.broadcast %shift_left3A_447 : i32 to vector<16xi32>
        %shift_left3A_449 = arith.shli %get3A_446, %shift_left3A_448 : vector<16xi32>
        %add3A_450 = arith.addi %shift_left3A_449, %iota3A : vector<16xi32>
        %gather3A_451 = tpu.vector_load_idx %arg9[%add3A_450] : memref<256xf32, #tpu.memory_space<vmem>>[vector<16xi32>], vector<16xf32>,
        %add3A_452 = arith.addf %add3A_400, %gather3A_451 : vector<16xf32>
        %mul3A_453 = arith.constant 40 : i32
        %mul3A_454 = arith.muli %scan3A_216, %mul3A_453 : i32
        %add3A_455 = arith.constant 18 : i32
        %add3A_456 = arith.addi %mul3A_454, %add3A_455 : i32
        %get3A_457 = arith.index_cast %add3A_456 : i32 to index
        %get3A_458 = arith.index_cast %mul3A_201 : i32 to index
        %get3A_459 = tpu.vector_load %arg7[%get3A_457, %get3A_458] {strides = array<i32>} : memref<200x512xi32, #tpu.memory_space<vmem>>, vector<16xi32>,
        %shift_left3A_460 = arith.constant 4 : i32
        %shift_left3A_461 = vector.broadcast %shift_left3A_460 : i32 to vector<16xi32>
        %shift_left3A_462 = arith.shli %get3A_459, %shift_left3A_461 : vector<16xi32>
        %add3A_463 = arith.addi %shift_left3A_462, %iota3A : vector<16xi32>
        %gather3A_464 = tpu.vector_load_idx %arg9[%add3A_463] : memref<256xf32, #tpu.memory_space<vmem>>[vector<16xi32>], vector<16xf32>,
        %add3A_465 = arith.addf %add3A_413, %gather3A_464 : vector<16xf32>
        %mul3A_466 = arith.constant 40 : i32
        %mul3A_467 = arith.muli %scan3A_216, %mul3A_466 : i32
        %add3A_468 = arith.constant 19 : i32
        %add3A_469 = arith.addi %mul3A_467, %add3A_468 : i32
        %get3A_470 = arith.index_cast %add3A_469 : i32 to index
        %get3A_471 = arith.index_cast %mul3A_201 : i32 to index
        %get3A_472 = tpu.vector_load %arg7[%get3A_470, %get3A_471] {strides = array<i32>} : memref<200x512xi32, #tpu.memory_space<vmem>>, vector<16xi32>,
        %shift_left3A_473 = arith.constant 4 : i32
        %shift_left3A_474 = vector.broadcast %shift_left3A_473 : i32 to vector<16xi32>
        %shift_left3A_475 = arith.shli %get3A_472, %shift_left3A_474 : vector<16xi32>
        %add3A_476 = arith.addi %shift_left3A_475, %iota3A : vector<16xi32>
        %gather3A_477 = tpu.vector_load_idx %arg9[%add3A_476] : memref<256xf32, #tpu.memory_space<vmem>>[vector<16xi32>], vector<16xf32>,
        %add3A_478 = arith.addf %add3A_426, %gather3A_477 : vector<16xf32>
        %mul3A_479 = arith.constant 40 : i32
        %mul3A_480 = arith.muli %scan3A_216, %mul3A_479 : i32
        %add3A_481 = arith.constant 20 : i32
        %add3A_482 = arith.addi %mul3A_480, %add3A_481 : i32
        %get3A_483 = arith.index_cast %add3A_482 : i32 to index
        %get3A_484 = arith.index_cast %mul3A_201 : i32 to index
        %get3A_485 = tpu.vector_load %arg7[%get3A_483, %get3A_484] {strides = array<i32>} : memref<200x512xi32, #tpu.memory_space<vmem>>, vector<16xi32>,
        %shift_left3A_486 = arith.constant 4 : i32
        %shift_left3A_487 = vector.broadcast %shift_left3A_486 : i32 to vector<16xi32>
        %shift_left3A_488 = arith.shli %get3A_485, %shift_left3A_487 : vector<16xi32>
        %add3A_489 = arith.addi %shift_left3A_488, %iota3A : vector<16xi32>
        %gather3A_490 = tpu.vector_load_idx %arg9[%add3A_489] : memref<256xf32, #tpu.memory_space<vmem>>[vector<16xi32>], vector<16xf32>,
        %add3A_491 = arith.addf %add3A_439, %gather3A_490 : vector<16xf32>
        %mul3A_492 = arith.constant 40 : i32
        %mul3A_493 = arith.muli %scan3A_216, %mul3A_492 : i32
        %add3A_494 = arith.constant 21 : i32
        %add3A_495 = arith.addi %mul3A_493, %add3A_494 : i32
        %get3A_496 = arith.index_cast %add3A_495 : i32 to index
        %get3A_497 = arith.index_cast %mul3A_201 : i32 to index
        %get3A_498 = tpu.vector_load %arg7[%get3A_496, %get3A_497] {strides = array<i32>} : memref<200x512xi32, #tpu.memory_space<vmem>>, vector<16xi32>,
        %shift_left3A_499 = arith.constant 4 : i32
        %shift_left3A_500 = vector.broadcast %shift_left3A_499 : i32 to vector<16xi32>
        %shift_left3A_501 = arith.shli %get3A_498, %shift_left3A_500 : vector<16xi32>
        %add3A_502 = arith.addi %shift_left3A_501, %iota3A : vector<16xi32>
        %gather3A_503 = tpu.vector_load_idx %arg9[%add3A_502] : memref<256xf32, #tpu.memory_space<vmem>>[vector<16xi32>], vector<16xf32>,
        %add3A_504 = arith.addf %add3A_452, %gather3A_503 : vector<16xf32>
        %mul3A_505 = arith.constant 40 : i32
        %mul3A_506 = arith.muli %scan3A_216, %mul3A_505 : i32
        %add3A_507 = arith.constant 22 : i32
        %add3A_508 = arith.addi %mul3A_506, %add3A_507 : i32
        %get3A_509 = arith.index_cast %add3A_508 : i32 to index
        %get3A_510 = arith.index_cast %mul3A_201 : i32 to index
        %get3A_511 = tpu.vector_load %arg7[%get3A_509, %get3A_510] {strides = array<i32>} : memref<200x512xi32, #tpu.memory_space<vmem>>, vector<16xi32>,
        %shift_left3A_512 = arith.constant 4 : i32
        %shift_left3A_513 = vector.broadcast %shift_left3A_512 : i32 to vector<16xi32>
        %shift_left3A_514 = arith.shli %get3A_511, %shift_left3A_513 : vector<16xi32>
        %add3A_515 = arith.addi %shift_left3A_514, %iota3A : vector<16xi32>
        %gather3A_516 = tpu.vector_load_idx %arg9[%add3A_515] : memref<256xf32, #tpu.memory_space<vmem>>[vector<16xi32>], vector<16xf32>,
        %add3A_517 = arith.addf %add3A_465, %gather3A_516 : vector<16xf32>
        %mul3A_518 = arith.constant 40 : i32
        %mul3A_519 = arith.muli %scan3A_216, %mul3A_518 : i32
        %add3A_520 = arith.constant 23 : i32
        %add3A_521 = arith.addi %mul3A_519, %add3A_520 : i32
        %get3A_522 = arith.index_cast %add3A_521 : i32 to index
        %get3A_523 = arith.index_cast %mul3A_201 : i32 to index
        %get3A_524 = tpu.vector_load %arg7[%get3A_522, %get3A_523] {strides = array<i32>} : memref<200x512xi32, #tpu.memory_space<vmem>>, vector<16xi32>,
        %shift_left3A_525 = arith.constant 4 : i32
        %shift_left3A_526 = vector.broadcast %shift_left3A_525 : i32 to vector<16xi32>
        %shift_left3A_527 = arith.shli %get3A_524, %shift_left3A_526 : vector<16xi32>
        %add3A_528 = arith.addi %shift_left3A_527, %iota3A : vector<16xi32>
        %gather3A_529 = tpu.vector_load_idx %arg9[%add3A_528] : memref<256xf32, #tpu.memory_space<vmem>>[vector<16xi32>], vector<16xf32>,
        %add3A_530 = arith.addf %add3A_478, %gather3A_529 : vector<16xf32>
        %mul3A_531 = arith.constant 40 : i32
        %mul3A_532 = arith.muli %scan3A_216, %mul3A_531 : i32
        %add3A_533 = arith.constant 24 : i32
        %add3A_534 = arith.addi %mul3A_532, %add3A_533 : i32
        %get3A_535 = arith.index_cast %add3A_534 : i32 to index
        %get3A_536 = arith.index_cast %mul3A_201 : i32 to index
        %get3A_537 = tpu.vector_load %arg7[%get3A_535, %get3A_536] {strides = array<i32>} : memref<200x512xi32, #tpu.memory_space<vmem>>, vector<16xi32>,
        %shift_left3A_538 = arith.constant 4 : i32
        %shift_left3A_539 = vector.broadcast %shift_left3A_538 : i32 to vector<16xi32>
        %shift_left3A_540 = arith.shli %get3A_537, %shift_left3A_539 : vector<16xi32>
        %add3A_541 = arith.addi %shift_left3A_540, %iota3A : vector<16xi32>
        %gather3A_542 = tpu.vector_load_idx %arg9[%add3A_541] : memref<256xf32, #tpu.memory_space<vmem>>[vector<16xi32>], vector<16xf32>,
        %add3A_543 = arith.addf %add3A_491, %gather3A_542 : vector<16xf32>
        %mul3A_544 = arith.constant 40 : i32
        %mul3A_545 = arith.muli %scan3A_216, %mul3A_544 : i32
        %add3A_546 = arith.constant 25 : i32
        %add3A_547 = arith.addi %mul3A_545, %add3A_546 : i32
        %get3A_548 = arith.index_cast %add3A_547 : i32 to index
        %get3A_549 = arith.index_cast %mul3A_201 : i32 to index
        %get3A_550 = tpu.vector_load %arg7[%get3A_548, %get3A_549] {strides = array<i32>} : memref<200x512xi32, #tpu.memory_space<vmem>>, vector<16xi32>,
        %shift_left3A_551 = arith.constant 4 : i32
        %shift_left3A_552 = vector.broadcast %shift_left3A_551 : i32 to vector<16xi32>
        %shift_left3A_553 = arith.shli %get3A_550, %shift_left3A_552 : vector<16xi32>
        %add3A_554 = arith.addi %shift_left3A_553, %iota3A : vector<16xi32>
        %gather3A_555 = tpu.vector_load_idx %arg9[%add3A_554] : memref<256xf32, #tpu.memory_space<vmem>>[vector<16xi32>], vector<16xf32>,
        %add3A_556 = arith.addf %add3A_504, %gather3A_555 : vector<16xf32>
        %mul3A_557 = arith.constant 40 : i32
        %mul3A_558 = arith.muli %scan3A_216, %mul3A_557 : i32
        %add3A_559 = arith.constant 26 : i32
        %add3A_560 = arith.addi %mul3A_558, %add3A_559 : i32
        %get3A_561 = arith.index_cast %add3A_560 : i32 to index
        %get3A_562 = arith.index_cast %mul3A_201 : i32 to index
        %get3A_563 = tpu.vector_load %arg7[%get3A_561, %get3A_562] {strides = array<i32>} : memref<200x512xi32, #tpu.memory_space<vmem>>, vector<16xi32>,
        %shift_left3A_564 = arith.constant 4 : i32
        %shift_left3A_565 = vector.broadcast %shift_left3A_564 : i32 to vector<16xi32>
        %shift_left3A_566 = arith.shli %get3A_563, %shift_left3A_565 : vector<16xi32>
        %add3A_567 = arith.addi %shift_left3A_566, %iota3A : vector<16xi32>
        %gather3A_568 = tpu.vector_load_idx %arg9[%add3A_567] : memref<256xf32, #tpu.memory_space<vmem>>[vector<16xi32>], vector<16xf32>,
        %add3A_569 = arith.addf %add3A_517, %gather3A_568 : vector<16xf32>
        %mul3A_570 = arith.constant 40 : i32
        %mul3A_571 = arith.muli %scan3A_216, %mul3A_570 : i32
        %add3A_572 = arith.constant 27 : i32
        %add3A_573 = arith.addi %mul3A_571, %add3A_572 : i32
        %get3A_574 = arith.index_cast %add3A_573 : i32 to index
        %get3A_575 = arith.index_cast %mul3A_201 : i32 to index
        %get3A_576 = tpu.vector_load %arg7[%get3A_574, %get3A_575] {strides = array<i32>} : memref<200x512xi32, #tpu.memory_space<vmem>>, vector<16xi32>,
        %shift_left3A_577 = arith.constant 4 : i32
        %shift_left3A_578 = vector.broadcast %shift_left3A_577 : i32 to vector<16xi32>
        %shift_left3A_579 = arith.shli %get3A_576, %shift_left3A_578 : vector<16xi32>
        %add3A_580 = arith.addi %shift_left3A_579, %iota3A : vector<16xi32>
        %gather3A_581 = tpu.vector_load_idx %arg9[%add3A_580] : memref<256xf32, #tpu.memory_space<vmem>>[vector<16xi32>], vector<16xf32>,
        %add3A_582 = arith.addf %add3A_530, %gather3A_581 : vector<16xf32>
        %mul3A_583 = arith.constant 40 : i32
        %mul3A_584 = arith.muli %scan3A_216, %mul3A_583 : i32
        %add3A_585 = arith.constant 28 : i32
        %add3A_586 = arith.addi %mul3A_584, %add3A_585 : i32
        %get3A_587 = arith.index_cast %add3A_586 : i32 to index
        %get3A_588 = arith.index_cast %mul3A_201 : i32 to index
        %get3A_589 = tpu.vector_load %arg7[%get3A_587, %get3A_588] {strides = array<i32>} : memref<200x512xi32, #tpu.memory_space<vmem>>, vector<16xi32>,
        %shift_left3A_590 = arith.constant 4 : i32
        %shift_left3A_591 = vector.broadcast %shift_left3A_590 : i32 to vector<16xi32>
        %shift_left3A_592 = arith.shli %get3A_589, %shift_left3A_591 : vector<16xi32>
        %add3A_593 = arith.addi %shift_left3A_592, %iota3A : vector<16xi32>
        %gather3A_594 = tpu.vector_load_idx %arg9[%add3A_593] : memref<256xf32, #tpu.memory_space<vmem>>[vector<16xi32>], vector<16xf32>,
        %add3A_595 = arith.addf %add3A_543, %gather3A_594 : vector<16xf32>
        %mul3A_596 = arith.constant 40 : i32
        %mul3A_597 = arith.muli %scan3A_216, %mul3A_596 : i32
        %add3A_598 = arith.constant 29 : i32
        %add3A_599 = arith.addi %mul3A_597, %add3A_598 : i32
        %get3A_600 = arith.index_cast %add3A_599 : i32 to index
        %get3A_601 = arith.index_cast %mul3A_201 : i32 to index
        %get3A_602 = tpu.vector_load %arg7[%get3A_600, %get3A_601] {strides = array<i32>} : memref<200x512xi32, #tpu.memory_space<vmem>>, vector<16xi32>,
        %shift_left3A_603 = arith.constant 4 : i32
        %shift_left3A_604 = vector.broadcast %shift_left3A_603 : i32 to vector<16xi32>
        %shift_left3A_605 = arith.shli %get3A_602, %shift_left3A_604 : vector<16xi32>
        %add3A_606 = arith.addi %shift_left3A_605, %iota3A : vector<16xi32>
        %gather3A_607 = tpu.vector_load_idx %arg9[%add3A_606] : memref<256xf32, #tpu.memory_space<vmem>>[vector<16xi32>], vector<16xf32>,
        %add3A_608 = arith.addf %add3A_556, %gather3A_607 : vector<16xf32>
        %mul3A_609 = arith.constant 40 : i32
        %mul3A_610 = arith.muli %scan3A_216, %mul3A_609 : i32
        %add3A_611 = arith.constant 30 : i32
        %add3A_612 = arith.addi %mul3A_610, %add3A_611 : i32
        %get3A_613 = arith.index_cast %add3A_612 : i32 to index
        %get3A_614 = arith.index_cast %mul3A_201 : i32 to index
        %get3A_615 = tpu.vector_load %arg7[%get3A_613, %get3A_614] {strides = array<i32>} : memref<200x512xi32, #tpu.memory_space<vmem>>, vector<16xi32>,
        %shift_left3A_616 = arith.constant 4 : i32
        %shift_left3A_617 = vector.broadcast %shift_left3A_616 : i32 to vector<16xi32>
        %shift_left3A_618 = arith.shli %get3A_615, %shift_left3A_617 : vector<16xi32>
        %add3A_619 = arith.addi %shift_left3A_618, %iota3A : vector<16xi32>
        %gather3A_620 = tpu.vector_load_idx %arg9[%add3A_619] : memref<256xf32, #tpu.memory_space<vmem>>[vector<16xi32>], vector<16xf32>,
        %add3A_621 = arith.addf %add3A_569, %gather3A_620 : vector<16xf32>
        %mul3A_622 = arith.constant 40 : i32
        %mul3A_623 = arith.muli %scan3A_216, %mul3A_622 : i32
        %add3A_624 = arith.constant 31 : i32
        %add3A_625 = arith.addi %mul3A_623, %add3A_624 : i32
        %get3A_626 = arith.index_cast %add3A_625 : i32 to index
        %get3A_627 = arith.index_cast %mul3A_201 : i32 to index
        %get3A_628 = tpu.vector_load %arg7[%get3A_626, %get3A_627] {strides = array<i32>} : memref<200x512xi32, #tpu.memory_space<vmem>>, vector<16xi32>,
        %shift_left3A_629 = arith.constant 4 : i32
        %shift_left3A_630 = vector.broadcast %shift_left3A_629 : i32 to vector<16xi32>
        %shift_left3A_631 = arith.shli %get3A_628, %shift_left3A_630 : vector<16xi32>
        %add3A_632 = arith.addi %shift_left3A_631, %iota3A : vector<16xi32>
        %gather3A_633 = tpu.vector_load_idx %arg9[%add3A_632] : memref<256xf32, #tpu.memory_space<vmem>>[vector<16xi32>], vector<16xf32>,
        %add3A_634 = arith.addf %add3A_582, %gather3A_633 : vector<16xf32>
        %mul3A_635 = arith.constant 40 : i32
        %mul3A_636 = arith.muli %scan3A_216, %mul3A_635 : i32
        %add3A_637 = arith.constant 32 : i32
        %add3A_638 = arith.addi %mul3A_636, %add3A_637 : i32
        %get3A_639 = arith.index_cast %add3A_638 : i32 to index
        %get3A_640 = arith.index_cast %mul3A_201 : i32 to index
        %get3A_641 = tpu.vector_load %arg7[%get3A_639, %get3A_640] {strides = array<i32>} : memref<200x512xi32, #tpu.memory_space<vmem>>, vector<16xi32>,
        %shift_left3A_642 = arith.constant 4 : i32
        %shift_left3A_643 = vector.broadcast %shift_left3A_642 : i32 to vector<16xi32>
        %shift_left3A_644 = arith.shli %get3A_641, %shift_left3A_643 : vector<16xi32>
        %add3A_645 = arith.addi %shift_left3A_644, %iota3A : vector<16xi32>
        %gather3A_646 = tpu.vector_load_idx %arg9[%add3A_645] : memref<256xf32, #tpu.memory_space<vmem>>[vector<16xi32>], vector<16xf32>,
        %add3A_647 = arith.addf %add3A_595, %gather3A_646 : vector<16xf32>
        %mul3A_648 = arith.constant 40 : i32
        %mul3A_649 = arith.muli %scan3A_216, %mul3A_648 : i32
        %add3A_650 = arith.constant 33 : i32
        %add3A_651 = arith.addi %mul3A_649, %add3A_650 : i32
        %get3A_652 = arith.index_cast %add3A_651 : i32 to index
        %get3A_653 = arith.index_cast %mul3A_201 : i32 to index
        %get3A_654 = tpu.vector_load %arg7[%get3A_652, %get3A_653] {strides = array<i32>} : memref<200x512xi32, #tpu.memory_space<vmem>>, vector<16xi32>,
        %shift_left3A_655 = arith.constant 4 : i32
        %shift_left3A_656 = vector.broadcast %shift_left3A_655 : i32 to vector<16xi32>
        %shift_left3A_657 = arith.shli %get3A_654, %shift_left3A_656 : vector<16xi32>
        %add3A_658 = arith.addi %shift_left3A_657, %iota3A : vector<16xi32>
        %gather3A_659 = tpu.vector_load_idx %arg9[%add3A_658] : memref<256xf32, #tpu.memory_space<vmem>>[vector<16xi32>], vector<16xf32>,
        %add3A_660 = arith.addf %add3A_608, %gather3A_659 : vector<16xf32>
        %mul3A_661 = arith.constant 40 : i32
        %mul3A_662 = arith.muli %scan3A_216, %mul3A_661 : i32
        %add3A_663 = arith.constant 34 : i32
        %add3A_664 = arith.addi %mul3A_662, %add3A_663 : i32
        %get3A_665 = arith.index_cast %add3A_664 : i32 to index
        %get3A_666 = arith.index_cast %mul3A_201 : i32 to index
        %get3A_667 = tpu.vector_load %arg7[%get3A_665, %get3A_666] {strides = array<i32>} : memref<200x512xi32, #tpu.memory_space<vmem>>, vector<16xi32>,
        %shift_left3A_668 = arith.constant 4 : i32
        %shift_left3A_669 = vector.broadcast %shift_left3A_668 : i32 to vector<16xi32>
        %shift_left3A_670 = arith.shli %get3A_667, %shift_left3A_669 : vector<16xi32>
        %add3A_671 = arith.addi %shift_left3A_670, %iota3A : vector<16xi32>
        %gather3A_672 = tpu.vector_load_idx %arg9[%add3A_671] : memref<256xf32, #tpu.memory_space<vmem>>[vector<16xi32>], vector<16xf32>,
        %add3A_673 = arith.addf %add3A_621, %gather3A_672 : vector<16xf32>
        %mul3A_674 = arith.constant 40 : i32
        %mul3A_675 = arith.muli %scan3A_216, %mul3A_674 : i32
        %add3A_676 = arith.constant 35 : i32
        %add3A_677 = arith.addi %mul3A_675, %add3A_676 : i32
        %get3A_678 = arith.index_cast %add3A_677 : i32 to index
        %get3A_679 = arith.index_cast %mul3A_201 : i32 to index
        %get3A_680 = tpu.vector_load %arg7[%get3A_678, %get3A_679] {strides = array<i32>} : memref<200x512xi32, #tpu.memory_space<vmem>>, vector<16xi32>,
        %shift_left3A_681 = arith.constant 4 : i32
        %shift_left3A_682 = vector.broadcast %shift_left3A_681 : i32 to vector<16xi32>
        %shift_left3A_683 = arith.shli %get3A_680, %shift_left3A_682 : vector<16xi32>
        %add3A_684 = arith.addi %shift_left3A_683, %iota3A : vector<16xi32>
        %gather3A_685 = tpu.vector_load_idx %arg9[%add3A_684] : memref<256xf32, #tpu.memory_space<vmem>>[vector<16xi32>], vector<16xf32>,
        %add3A_686 = arith.addf %add3A_634, %gather3A_685 : vector<16xf32>
        %mul3A_687 = arith.constant 40 : i32
        %mul3A_688 = arith.muli %scan3A_216, %mul3A_687 : i32
        %add3A_689 = arith.constant 36 : i32
        %add3A_690 = arith.addi %mul3A_688, %add3A_689 : i32
        %get3A_691 = arith.index_cast %add3A_690 : i32 to index
        %get3A_692 = arith.index_cast %mul3A_201 : i32 to index
        %get3A_693 = tpu.vector_load %arg7[%get3A_691, %get3A_692] {strides = array<i32>} : memref<200x512xi32, #tpu.memory_space<vmem>>, vector<16xi32>,
        %shift_left3A_694 = arith.constant 4 : i32
        %shift_left3A_695 = vector.broadcast %shift_left3A_694 : i32 to vector<16xi32>
        %shift_left3A_696 = arith.shli %get3A_693, %shift_left3A_695 : vector<16xi32>
        %add3A_697 = arith.addi %shift_left3A_696, %iota3A : vector<16xi32>
        %gather3A_698 = tpu.vector_load_idx %arg9[%add3A_697] : memref<256xf32, #tpu.memory_space<vmem>>[vector<16xi32>], vector<16xf32>,
        %add3A_699 = arith.addf %add3A_647, %gather3A_698 : vector<16xf32>
        %mul3A_700 = arith.constant 40 : i32
        %mul3A_701 = arith.muli %scan3A_216, %mul3A_700 : i32
        %add3A_702 = arith.constant 37 : i32
        %add3A_703 = arith.addi %mul3A_701, %add3A_702 : i32
        %get3A_704 = arith.index_cast %add3A_703 : i32 to index
        %get3A_705 = arith.index_cast %mul3A_201 : i32 to index
        %get3A_706 = tpu.vector_load %arg7[%get3A_704, %get3A_705] {strides = array<i32>} : memref<200x512xi32, #tpu.memory_space<vmem>>, vector<16xi32>,
        %shift_left3A_707 = arith.constant 4 : i32
        %shift_left3A_708 = vector.broadcast %shift_left3A_707 : i32 to vector<16xi32>
        %shift_left3A_709 = arith.shli %get3A_706, %shift_left3A_708 : vector<16xi32>
        %add3A_710 = arith.addi %shift_left3A_709, %iota3A : vector<16xi32>
        %gather3A_711 = tpu.vector_load_idx %arg9[%add3A_710] : memref<256xf32, #tpu.memory_space<vmem>>[vector<16xi32>], vector<16xf32>,
        %add3A_712 = arith.addf %add3A_660, %gather3A_711 : vector<16xf32>
        %mul3A_713 = arith.constant 40 : i32
        %mul3A_714 = arith.muli %scan3A_216, %mul3A_713 : i32
        %add3A_715 = arith.constant 38 : i32
        %add3A_716 = arith.addi %mul3A_714, %add3A_715 : i32
        %get3A_717 = arith.index_cast %add3A_716 : i32 to index
        %get3A_718 = arith.index_cast %mul3A_201 : i32 to index
        %get3A_719 = tpu.vector_load %arg7[%get3A_717, %get3A_718] {strides = array<i32>} : memref<200x512xi32, #tpu.memory_space<vmem>>, vector<16xi32>,
        %shift_left3A_720 = arith.constant 4 : i32
        %shift_left3A_721 = vector.broadcast %shift_left3A_720 : i32 to vector<16xi32>
        %shift_left3A_722 = arith.shli %get3A_719, %shift_left3A_721 : vector<16xi32>
        %add3A_723 = arith.addi %shift_left3A_722, %iota3A : vector<16xi32>
        %gather3A_724 = tpu.vector_load_idx %arg9[%add3A_723] : memref<256xf32, #tpu.memory_space<vmem>>[vector<16xi32>], vector<16xf32>,
        %add3A_725 = arith.addf %add3A_673, %gather3A_724 : vector<16xf32>
        %mul3A_726 = arith.constant 40 : i32
        %mul3A_727 = arith.muli %scan3A_216, %mul3A_726 : i32
        %add3A_728 = arith.constant 39 : i32
        %add3A_729 = arith.addi %mul3A_727, %add3A_728 : i32
        %get3A_730 = arith.index_cast %add3A_729 : i32 to index
        %get3A_731 = arith.index_cast %mul3A_201 : i32 to index
        %get3A_732 = tpu.vector_load %arg7[%get3A_730, %get3A_731] {strides = array<i32>} : memref<200x512xi32, #tpu.memory_space<vmem>>, vector<16xi32>,
        %shift_left3A_733 = arith.constant 4 : i32
        %shift_left3A_734 = vector.broadcast %shift_left3A_733 : i32 to vector<16xi32>
        %shift_left3A_735 = arith.shli %get3A_732, %shift_left3A_734 : vector<16xi32>
        %add3A_736 = arith.addi %shift_left3A_735, %iota3A : vector<16xi32>
        %gather3A_737 = tpu.vector_load_idx %arg9[%add3A_736] : memref<256xf32, #tpu.memory_space<vmem>>[vector<16xi32>], vector<16xf32>,
        %add3A_738 = arith.addf %add3A_686, %gather3A_737 : vector<16xf32>
        scf.yield %add3A_699, %add3A_712, %add3A_725, %add3A_738 : vector<16xf32>, vector<16xf32>, vector<16xf32>, vector<16xf32>
      }
      %scan3A_207 = arith.constant 5 : i32
      %add3A_208 = arith.addf %scan3A_206#0, %scan3A_206#1 : vector<16xf32>
      %add3A_209 = arith.addf %scan3A_206#2, %scan3A_206#3 : vector<16xf32>
      %add3A_210 = arith.addf %add3A_208, %add3A_209 : vector<16xf32>
      %get3A_211 = arith.index_cast %mul3A_201 : i32 to index
      %get3A_212 = tpu.vector_load %arg10[%get3A_211] {strides = array<i32>} : memref<512xf32, #tpu.memory_space<vmem>>, vector<16xf32>,
      %add3A_213 = arith.addf %add3A_210, %get3A_212 : vector<16xf32>
      %swap3A_214 = arith.index_cast %mul3A_201 : i32 to index
      %swap3A_215 = tpu.vector_load %arg11[%swap3A_214] {strides = array<i32>} : memref<512xf32, #tpu.memory_space<vmem>>, vector<16xf32>,
      tpu.vector_store %arg11[%swap3A_214], %add3A_213 {strides = array<i32>} : memref<512xf32, #tpu.memory_space<vmem>>, vector<16xf32>,
    }
    %scan3A_150 = arith.constant 16 : i32
    %dma_wait3A_151 = arith.constant 0 : i32
    %dma_wait3A_152 = arith.constant 256 : i32
    %dma_wait3A_153 = tpu.memref_slice %arg7[%dma_wait3A_151, %dma_wait3A_152] : memref<200x512xi32, #tpu.memory_space<vmem>> -> memref<200x256xi32, #tpu.memory_space<vmem>>
    %dma_wait3A_154 = arith.constant 0 : i32
    %dma_wait3A_155 = tpu.memref_slice %arg2[%dma_wait3A_154, %add3A_16] : memref<200x16384xi32, #tpu.memory_space<hbm>> -> memref<200x256xi32, #tpu.memory_space<hbm>>
    %dma_wait3A_156 = arith.constant 0 : i32
    %dma_wait3A_157 = arith.constant 256 : i32
    %dma_wait3A_158 = tpu.memref_slice %arg7[%dma_wait3A_156, %dma_wait3A_157] : memref<200x512xi32, #tpu.memory_space<vmem>> -> memref<200x256xi32, #tpu.memory_space<vmem>>
    %dma_wait3A_159 = arith.constant 0 : i32
    %dma_wait3A_160 = tpu.memref_slice %arg2[%dma_wait3A_159, %add3A_16] : memref<200x16384xi32, #tpu.memory_space<hbm>> -> memref<200x256xi32, #tpu.memory_space<hbm>>
    tpu.wait_dma2 semaphore(%arg13 : memref<!tpu.dma_semaphore, #tpu.memory_space<semaphore_mem>>) src(%dma_wait3A_160 : memref<200x256xi32, #tpu.memory_space<hbm>>) dst(%dma_wait3A_158 : memref<200x256xi32, #tpu.memory_space<vmem>>)
    %add3A_161 = arith.constant 256 : i32
    %add3A_162 = arith.addi %mul3A_2, %add3A_161 : i32
    %dma_start3A_163 = arith.constant 0 : i32
    %dma_start3A_164 = arith.constant 256 : i32
    %dma_start3A_165 = tpu.memref_slice %arg7[%dma_start3A_163, %dma_start3A_164] : memref<200x512xi32, #tpu.memory_space<vmem>> -> memref<200x256xi32, #tpu.memory_space<vmem>>
    %dma_start3A_166 = arith.constant 0 : i32
    %dma_start3A_167 = tpu.memref_slice %arg5[%dma_start3A_166, %add3A_162] : memref<200x16384xi32, #tpu.memory_space<hbm>> -> memref<200x256xi32, #tpu.memory_space<hbm>>
    %dma_start3A_168 = arith.constant 0 : i32
    %dma_start3A_169 = tpu.memref_slice %arg5[%dma_start3A_168, %add3A_162] : memref<200x16384xi32, #tpu.memory_space<hbm>> -> memref<200x256xi32, #tpu.memory_space<hbm>>
    %dma_start3A_170 = arith.constant 0 : i32
    %dma_start3A_171 = arith.constant 256 : i32
    %dma_start3A_172 = tpu.memref_slice %arg7[%dma_start3A_170, %dma_start3A_171] : memref<200x512xi32, #tpu.memory_space<vmem>> -> memref<200x256xi32, #tpu.memory_space<vmem>>
    tpu.enqueue_dma source(%dma_start3A_172 : memref<200x256xi32, #tpu.memory_space<vmem>>) target(%dma_start3A_169 : memref<200x256xi32, #tpu.memory_space<hbm>>) target_semaphore(%arg15 : memref<!tpu.dma_semaphore, #tpu.memory_space<semaphore_mem>>)
    %scan3A_173 = arith.constant 0 : i32
    %scan3A_174 = arith.constant 16 : i32
    %scan3A_175 = arith.constant 16 : i32
    %scan3A_176 = arith.addi %scan3A_174, %scan3A_175 : i32
    %scan3A_177 = arith.constant 1 : i32
    scf.for %scan3A_199 = %scan3A_174 to %scan3A_176 step %scan3A_177  : i32 {
      %mul3A_200 = arith.constant 16 : i32
      %mul3A_201 = arith.muli %scan3A_199, %mul3A_200 : i32
      %scan3A_202 = arith.constant 0 : i32
      %scan3A_203 = arith.constant 5 : i32
      %scan3A_204 = arith.addi %scan3A_202, %scan3A_203 : i32
      %scan3A_205 = arith.constant 1 : i32
      %scan3A_206:4 = scf.for %scan3A_216 = %scan3A_202 to %scan3A_204 step %scan3A_205 iter_args(%scan3A_217 = %broadcast_in_dim3A_3, %scan3A_218 = %broadcast_in_dim3A_3, %scan3A_219 = %broadcast_in_dim3A_3, %scan3A_220 = %broadcast_in_dim3A_3) -> (vector<16xf32>, vector<16xf32>, vector<16xf32>, vector<16xf32>)  : i32 {
        %mul3A_221 = arith.constant 40 : i32
        %mul3A_222 = arith.muli %scan3A_216, %mul3A_221 : i32
        %add3A_223 = arith.constant 0 : i32
        %add3A_224 = arith.addi %mul3A_222, %add3A_223 : i32
        %get3A_225 = arith.index_cast %add3A_224 : i32 to index
        %get3A_226 = arith.index_cast %mul3A_201 : i32 to index
        %get3A_227 = tpu.vector_load %arg7[%get3A_225, %get3A_226] {strides = array<i32>} : memref<200x512xi32, #tpu.memory_space<vmem>>, vector<16xi32>,
        %shift_left3A = arith.constant 4 : i32
        %shift_left3A_228 = vector.broadcast %shift_left3A : i32 to vector<16xi32>
        %shift_left3A_229 = arith.shli %get3A_227, %shift_left3A_228 : vector<16xi32>
        %add3A_230 = arith.addi %shift_left3A_229, %iota3A : vector<16xi32>
        %gather3A = tpu.vector_load_idx %arg9[%add3A_230] : memref<256xf32, #tpu.memory_space<vmem>>[vector<16xi32>], vector<16xf32>,
        %add3A_231 = arith.addf %scan3A_217, %gather3A : vector<16xf32>
        %mul3A_232 = arith.constant 40 : i32
        %mul3A_233 = arith.muli %scan3A_216, %mul3A_232 : i32
        %add3A_234 = arith.constant 1 : i32
        %add3A_235 = arith.addi %mul3A_233, %add3A_234 : i32
        %get3A_236 = arith.index_cast %add3A_235 : i32 to index
        %get3A_237 = arith.index_cast %mul3A_201 : i32 to index
        %get3A_238 = tpu.vector_load %arg7[%get3A_236, %get3A_237] {strides = array<i32>} : memref<200x512xi32, #tpu.memory_space<vmem>>, vector<16xi32>,
        %shift_left3A_239 = arith.constant 4 : i32
        %shift_left3A_240 = vector.broadcast %shift_left3A_239 : i32 to vector<16xi32>
        %shift_left3A_241 = arith.shli %get3A_238, %shift_left3A_240 : vector<16xi32>
        %add3A_242 = arith.addi %shift_left3A_241, %iota3A : vector<16xi32>
        %gather3A_243 = tpu.vector_load_idx %arg9[%add3A_242] : memref<256xf32, #tpu.memory_space<vmem>>[vector<16xi32>], vector<16xf32>,
        %add3A_244 = arith.addf %scan3A_218, %gather3A_243 : vector<16xf32>
        %mul3A_245 = arith.constant 40 : i32
        %mul3A_246 = arith.muli %scan3A_216, %mul3A_245 : i32
        %add3A_247 = arith.constant 2 : i32
        %add3A_248 = arith.addi %mul3A_246, %add3A_247 : i32
        %get3A_249 = arith.index_cast %add3A_248 : i32 to index
        %get3A_250 = arith.index_cast %mul3A_201 : i32 to index
        %get3A_251 = tpu.vector_load %arg7[%get3A_249, %get3A_250] {strides = array<i32>} : memref<200x512xi32, #tpu.memory_space<vmem>>, vector<16xi32>,
        %shift_left3A_252 = arith.constant 4 : i32
        %shift_left3A_253 = vector.broadcast %shift_left3A_252 : i32 to vector<16xi32>
        %shift_left3A_254 = arith.shli %get3A_251, %shift_left3A_253 : vector<16xi32>
        %add3A_255 = arith.addi %shift_left3A_254, %iota3A : vector<16xi32>
        %gather3A_256 = tpu.vector_load_idx %arg9[%add3A_255] : memref<256xf32, #tpu.memory_space<vmem>>[vector<16xi32>], vector<16xf32>,
        %add3A_257 = arith.addf %scan3A_219, %gather3A_256 : vector<16xf32>
        %mul3A_258 = arith.constant 40 : i32
        %mul3A_259 = arith.muli %scan3A_216, %mul3A_258 : i32
        %add3A_260 = arith.constant 3 : i32
        %add3A_261 = arith.addi %mul3A_259, %add3A_260 : i32
        %get3A_262 = arith.index_cast %add3A_261 : i32 to index
        %get3A_263 = arith.index_cast %mul3A_201 : i32 to index
        %get3A_264 = tpu.vector_load %arg7[%get3A_262, %get3A_263] {strides = array<i32>} : memref<200x512xi32, #tpu.memory_space<vmem>>, vector<16xi32>,
        %shift_left3A_265 = arith.constant 4 : i32
        %shift_left3A_266 = vector.broadcast %shift_left3A_265 : i32 to vector<16xi32>
        %shift_left3A_267 = arith.shli %get3A_264, %shift_left3A_266 : vector<16xi32>
        %add3A_268 = arith.addi %shift_left3A_267, %iota3A : vector<16xi32>
        %gather3A_269 = tpu.vector_load_idx %arg9[%add3A_268] : memref<256xf32, #tpu.memory_space<vmem>>[vector<16xi32>], vector<16xf32>,
        %add3A_270 = arith.addf %scan3A_220, %gather3A_269 : vector<16xf32>
        %mul3A_271 = arith.constant 40 : i32
        %mul3A_272 = arith.muli %scan3A_216, %mul3A_271 : i32
        %add3A_273 = arith.constant 4 : i32
        %add3A_274 = arith.addi %mul3A_272, %add3A_273 : i32
        %get3A_275 = arith.index_cast %add3A_274 : i32 to index
        %get3A_276 = arith.index_cast %mul3A_201 : i32 to index
        %get3A_277 = tpu.vector_load %arg7[%get3A_275, %get3A_276] {strides = array<i32>} : memref<200x512xi32, #tpu.memory_space<vmem>>, vector<16xi32>,
        %shift_left3A_278 = arith.constant 4 : i32
        %shift_left3A_279 = vector.broadcast %shift_left3A_278 : i32 to vector<16xi32>
        %shift_left3A_280 = arith.shli %get3A_277, %shift_left3A_279 : vector<16xi32>
        %add3A_281 = arith.addi %shift_left3A_280, %iota3A : vector<16xi32>
        %gather3A_282 = tpu.vector_load_idx %arg9[%add3A_281] : memref<256xf32, #tpu.memory_space<vmem>>[vector<16xi32>], vector<16xf32>,
        %add3A_283 = arith.addf %add3A_231, %gather3A_282 : vector<16xf32>
        %mul3A_284 = arith.constant 40 : i32
        %mul3A_285 = arith.muli %scan3A_216, %mul3A_284 : i32
        %add3A_286 = arith.constant 5 : i32
        %add3A_287 = arith.addi %mul3A_285, %add3A_286 : i32
        %get3A_288 = arith.index_cast %add3A_287 : i32 to index
        %get3A_289 = arith.index_cast %mul3A_201 : i32 to index
        %get3A_290 = tpu.vector_load %arg7[%get3A_288, %get3A_289] {strides = array<i32>} : memref<200x512xi32, #tpu.memory_space<vmem>>, vector<16xi32>,
        %shift_left3A_291 = arith.constant 4 : i32
        %shift_left3A_292 = vector.broadcast %shift_left3A_291 : i32 to vector<16xi32>
        %shift_left3A_293 = arith.shli %get3A_290, %shift_left3A_292 : vector<16xi32>
        %add3A_294 = arith.addi %shift_left3A_293, %iota3A : vector<16xi32>
        %gather3A_295 = tpu.vector_load_idx %arg9[%add3A_294] : memref<256xf32, #tpu.memory_space<vmem>>[vector<16xi32>], vector<16xf32>,
        %add3A_296 = arith.addf %add3A_244, %gather3A_295 : vector<16xf32>
        %mul3A_297 = arith.constant 40 : i32
        %mul3A_298 = arith.muli %scan3A_216, %mul3A_297 : i32
        %add3A_299 = arith.constant 6 : i32
        %add3A_300 = arith.addi %mul3A_298, %add3A_299 : i32
        %get3A_301 = arith.index_cast %add3A_300 : i32 to index
        %get3A_302 = arith.index_cast %mul3A_201 : i32 to index
        %get3A_303 = tpu.vector_load %arg7[%get3A_301, %get3A_302] {strides = array<i32>} : memref<200x512xi32, #tpu.memory_space<vmem>>, vector<16xi32>,
        %shift_left3A_304 = arith.constant 4 : i32
        %shift_left3A_305 = vector.broadcast %shift_left3A_304 : i32 to vector<16xi32>
        %shift_left3A_306 = arith.shli %get3A_303, %shift_left3A_305 : vector<16xi32>
        %add3A_307 = arith.addi %shift_left3A_306, %iota3A : vector<16xi32>
        %gather3A_308 = tpu.vector_load_idx %arg9[%add3A_307] : memref<256xf32, #tpu.memory_space<vmem>>[vector<16xi32>], vector<16xf32>,
        %add3A_309 = arith.addf %add3A_257, %gather3A_308 : vector<16xf32>
        %mul3A_310 = arith.constant 40 : i32
        %mul3A_311 = arith.muli %scan3A_216, %mul3A_310 : i32
        %add3A_312 = arith.constant 7 : i32
        %add3A_313 = arith.addi %mul3A_311, %add3A_312 : i32
        %get3A_314 = arith.index_cast %add3A_313 : i32 to index
        %get3A_315 = arith.index_cast %mul3A_201 : i32 to index
        %get3A_316 = tpu.vector_load %arg7[%get3A_314, %get3A_315] {strides = array<i32>} : memref<200x512xi32, #tpu.memory_space<vmem>>, vector<16xi32>,
        %shift_left3A_317 = arith.constant 4 : i32
        %shift_left3A_318 = vector.broadcast %shift_left3A_317 : i32 to vector<16xi32>
        %shift_left3A_319 = arith.shli %get3A_316, %shift_left3A_318 : vector<16xi32>
        %add3A_320 = arith.addi %shift_left3A_319, %iota3A : vector<16xi32>
        %gather3A_321 = tpu.vector_load_idx %arg9[%add3A_320] : memref<256xf32, #tpu.memory_space<vmem>>[vector<16xi32>], vector<16xf32>,
        %add3A_322 = arith.addf %add3A_270, %gather3A_321 : vector<16xf32>
        %mul3A_323 = arith.constant 40 : i32
        %mul3A_324 = arith.muli %scan3A_216, %mul3A_323 : i32
        %add3A_325 = arith.constant 8 : i32
        %add3A_326 = arith.addi %mul3A_324, %add3A_325 : i32
        %get3A_327 = arith.index_cast %add3A_326 : i32 to index
        %get3A_328 = arith.index_cast %mul3A_201 : i32 to index
        %get3A_329 = tpu.vector_load %arg7[%get3A_327, %get3A_328] {strides = array<i32>} : memref<200x512xi32, #tpu.memory_space<vmem>>, vector<16xi32>,
        %shift_left3A_330 = arith.constant 4 : i32
        %shift_left3A_331 = vector.broadcast %shift_left3A_330 : i32 to vector<16xi32>
        %shift_left3A_332 = arith.shli %get3A_329, %shift_left3A_331 : vector<16xi32>
        %add3A_333 = arith.addi %shift_left3A_332, %iota3A : vector<16xi32>
        %gather3A_334 = tpu.vector_load_idx %arg9[%add3A_333] : memref<256xf32, #tpu.memory_space<vmem>>[vector<16xi32>], vector<16xf32>,
        %add3A_335 = arith.addf %add3A_283, %gather3A_334 : vector<16xf32>
        %mul3A_336 = arith.constant 40 : i32
        %mul3A_337 = arith.muli %scan3A_216, %mul3A_336 : i32
        %add3A_338 = arith.constant 9 : i32
        %add3A_339 = arith.addi %mul3A_337, %add3A_338 : i32
        %get3A_340 = arith.index_cast %add3A_339 : i32 to index
        %get3A_341 = arith.index_cast %mul3A_201 : i32 to index
        %get3A_342 = tpu.vector_load %arg7[%get3A_340, %get3A_341] {strides = array<i32>} : memref<200x512xi32, #tpu.memory_space<vmem>>, vector<16xi32>,
        %shift_left3A_343 = arith.constant 4 : i32
        %shift_left3A_344 = vector.broadcast %shift_left3A_343 : i32 to vector<16xi32>
        %shift_left3A_345 = arith.shli %get3A_342, %shift_left3A_344 : vector<16xi32>
        %add3A_346 = arith.addi %shift_left3A_345, %iota3A : vector<16xi32>
        %gather3A_347 = tpu.vector_load_idx %arg9[%add3A_346] : memref<256xf32, #tpu.memory_space<vmem>>[vector<16xi32>], vector<16xf32>,
        %add3A_348 = arith.addf %add3A_296, %gather3A_347 : vector<16xf32>
        %mul3A_349 = arith.constant 40 : i32
        %mul3A_350 = arith.muli %scan3A_216, %mul3A_349 : i32
        %add3A_351 = arith.constant 10 : i32
        %add3A_352 = arith.addi %mul3A_350, %add3A_351 : i32
        %get3A_353 = arith.index_cast %add3A_352 : i32 to index
        %get3A_354 = arith.index_cast %mul3A_201 : i32 to index
        %get3A_355 = tpu.vector_load %arg7[%get3A_353, %get3A_354] {strides = array<i32>} : memref<200x512xi32, #tpu.memory_space<vmem>>, vector<16xi32>,
        %shift_left3A_356 = arith.constant 4 : i32
        %shift_left3A_357 = vector.broadcast %shift_left3A_356 : i32 to vector<16xi32>
        %shift_left3A_358 = arith.shli %get3A_355, %shift_left3A_357 : vector<16xi32>
        %add3A_359 = arith.addi %shift_left3A_358, %iota3A : vector<16xi32>
        %gather3A_360 = tpu.vector_load_idx %arg9[%add3A_359] : memref<256xf32, #tpu.memory_space<vmem>>[vector<16xi32>], vector<16xf32>,
        %add3A_361 = arith.addf %add3A_309, %gather3A_360 : vector<16xf32>
        %mul3A_362 = arith.constant 40 : i32
        %mul3A_363 = arith.muli %scan3A_216, %mul3A_362 : i32
        %add3A_364 = arith.constant 11 : i32
        %add3A_365 = arith.addi %mul3A_363, %add3A_364 : i32
        %get3A_366 = arith.index_cast %add3A_365 : i32 to index
        %get3A_367 = arith.index_cast %mul3A_201 : i32 to index
        %get3A_368 = tpu.vector_load %arg7[%get3A_366, %get3A_367] {strides = array<i32>} : memref<200x512xi32, #tpu.memory_space<vmem>>, vector<16xi32>,
        %shift_left3A_369 = arith.constant 4 : i32
        %shift_left3A_370 = vector.broadcast %shift_left3A_369 : i32 to vector<16xi32>
        %shift_left3A_371 = arith.shli %get3A_368, %shift_left3A_370 : vector<16xi32>
        %add3A_372 = arith.addi %shift_left3A_371, %iota3A : vector<16xi32>
        %gather3A_373 = tpu.vector_load_idx %arg9[%add3A_372] : memref<256xf32, #tpu.memory_space<vmem>>[vector<16xi32>], vector<16xf32>,
        %add3A_374 = arith.addf %add3A_322, %gather3A_373 : vector<16xf32>
        %mul3A_375 = arith.constant 40 : i32
        %mul3A_376 = arith.muli %scan3A_216, %mul3A_375 : i32
        %add3A_377 = arith.constant 12 : i32
        %add3A_378 = arith.addi %mul3A_376, %add3A_377 : i32
        %get3A_379 = arith.index_cast %add3A_378 : i32 to index
        %get3A_380 = arith.index_cast %mul3A_201 : i32 to index
        %get3A_381 = tpu.vector_load %arg7[%get3A_379, %get3A_380] {strides = array<i32>} : memref<200x512xi32, #tpu.memory_space<vmem>>, vector<16xi32>,
        %shift_left3A_382 = arith.constant 4 : i32
        %shift_left3A_383 = vector.broadcast %shift_left3A_382 : i32 to vector<16xi32>
        %shift_left3A_384 = arith.shli %get3A_381, %shift_left3A_383 : vector<16xi32>
        %add3A_385 = arith.addi %shift_left3A_384, %iota3A : vector<16xi32>
        %gather3A_386 = tpu.vector_load_idx %arg9[%add3A_385] : memref<256xf32, #tpu.memory_space<vmem>>[vector<16xi32>], vector<16xf32>,
        %add3A_387 = arith.addf %add3A_335, %gather3A_386 : vector<16xf32>
        %mul3A_388 = arith.constant 40 : i32
        %mul3A_389 = arith.muli %scan3A_216, %mul3A_388 : i32
        %add3A_390 = arith.constant 13 : i32
        %add3A_391 = arith.addi %mul3A_389, %add3A_390 : i32
        %get3A_392 = arith.index_cast %add3A_391 : i32 to index
        %get3A_393 = arith.index_cast %mul3A_201 : i32 to index
        %get3A_394 = tpu.vector_load %arg7[%get3A_392, %get3A_393] {strides = array<i32>} : memref<200x512xi32, #tpu.memory_space<vmem>>, vector<16xi32>,
        %shift_left3A_395 = arith.constant 4 : i32
        %shift_left3A_396 = vector.broadcast %shift_left3A_395 : i32 to vector<16xi32>
        %shift_left3A_397 = arith.shli %get3A_394, %shift_left3A_396 : vector<16xi32>
        %add3A_398 = arith.addi %shift_left3A_397, %iota3A : vector<16xi32>
        %gather3A_399 = tpu.vector_load_idx %arg9[%add3A_398] : memref<256xf32, #tpu.memory_space<vmem>>[vector<16xi32>], vector<16xf32>,
        %add3A_400 = arith.addf %add3A_348, %gather3A_399 : vector<16xf32>
        %mul3A_401 = arith.constant 40 : i32
        %mul3A_402 = arith.muli %scan3A_216, %mul3A_401 : i32
        %add3A_403 = arith.constant 14 : i32
        %add3A_404 = arith.addi %mul3A_402, %add3A_403 : i32
        %get3A_405 = arith.index_cast %add3A_404 : i32 to index
        %get3A_406 = arith.index_cast %mul3A_201 : i32 to index
        %get3A_407 = tpu.vector_load %arg7[%get3A_405, %get3A_406] {strides = array<i32>} : memref<200x512xi32, #tpu.memory_space<vmem>>, vector<16xi32>,
        %shift_left3A_408 = arith.constant 4 : i32
        %shift_left3A_409 = vector.broadcast %shift_left3A_408 : i32 to vector<16xi32>
        %shift_left3A_410 = arith.shli %get3A_407, %shift_left3A_409 : vector<16xi32>
        %add3A_411 = arith.addi %shift_left3A_410, %iota3A : vector<16xi32>
        %gather3A_412 = tpu.vector_load_idx %arg9[%add3A_411] : memref<256xf32, #tpu.memory_space<vmem>>[vector<16xi32>], vector<16xf32>,
        %add3A_413 = arith.addf %add3A_361, %gather3A_412 : vector<16xf32>
        %mul3A_414 = arith.constant 40 : i32
        %mul3A_415 = arith.muli %scan3A_216, %mul3A_414 : i32
        %add3A_416 = arith.constant 15 : i32
        %add3A_417 = arith.addi %mul3A_415, %add3A_416 : i32
        %get3A_418 = arith.index_cast %add3A_417 : i32 to index
        %get3A_419 = arith.index_cast %mul3A_201 : i32 to index
        %get3A_420 = tpu.vector_load %arg7[%get3A_418, %get3A_419] {strides = array<i32>} : memref<200x512xi32, #tpu.memory_space<vmem>>, vector<16xi32>,
        %shift_left3A_421 = arith.constant 4 : i32
        %shift_left3A_422 = vector.broadcast %shift_left3A_421 : i32 to vector<16xi32>
        %shift_left3A_423 = arith.shli %get3A_420, %shift_left3A_422 : vector<16xi32>
        %add3A_424 = arith.addi %shift_left3A_423, %iota3A : vector<16xi32>
        %gather3A_425 = tpu.vector_load_idx %arg9[%add3A_424] : memref<256xf32, #tpu.memory_space<vmem>>[vector<16xi32>], vector<16xf32>,
        %add3A_426 = arith.addf %add3A_374, %gather3A_425 : vector<16xf32>
        %mul3A_427 = arith.constant 40 : i32
        %mul3A_428 = arith.muli %scan3A_216, %mul3A_427 : i32
        %add3A_429 = arith.constant 16 : i32
        %add3A_430 = arith.addi %mul3A_428, %add3A_429 : i32
        %get3A_431 = arith.index_cast %add3A_430 : i32 to index
        %get3A_432 = arith.index_cast %mul3A_201 : i32 to index
        %get3A_433 = tpu.vector_load %arg7[%get3A_431, %get3A_432] {strides = array<i32>} : memref<200x512xi32, #tpu.memory_space<vmem>>, vector<16xi32>,
        %shift_left3A_434 = arith.constant 4 : i32
        %shift_left3A_435 = vector.broadcast %shift_left3A_434 : i32 to vector<16xi32>
        %shift_left3A_436 = arith.shli %get3A_433, %shift_left3A_435 : vector<16xi32>
        %add3A_437 = arith.addi %shift_left3A_436, %iota3A : vector<16xi32>
        %gather3A_438 = tpu.vector_load_idx %arg9[%add3A_437] : memref<256xf32, #tpu.memory_space<vmem>>[vector<16xi32>], vector<16xf32>,
        %add3A_439 = arith.addf %add3A_387, %gather3A_438 : vector<16xf32>
        %mul3A_440 = arith.constant 40 : i32
        %mul3A_441 = arith.muli %scan3A_216, %mul3A_440 : i32
        %add3A_442 = arith.constant 17 : i32
        %add3A_443 = arith.addi %mul3A_441, %add3A_442 : i32
        %get3A_444 = arith.index_cast %add3A_443 : i32 to index
        %get3A_445 = arith.index_cast %mul3A_201 : i32 to index
        %get3A_446 = tpu.vector_load %arg7[%get3A_444, %get3A_445] {strides = array<i32>} : memref<200x512xi32, #tpu.memory_space<vmem>>, vector<16xi32>,
        %shift_left3A_447 = arith.constant 4 : i32
        %shift_left3A_448 = vector.broadcast %shift_left3A_447 : i32 to vector<16xi32>
        %shift_left3A_449 = arith.shli %get3A_446, %shift_left3A_448 : vector<16xi32>
        %add3A_450 = arith.addi %shift_left3A_449, %iota3A : vector<16xi32>
        %gather3A_451 = tpu.vector_load_idx %arg9[%add3A_450] : memref<256xf32, #tpu.memory_space<vmem>>[vector<16xi32>], vector<16xf32>,
        %add3A_452 = arith.addf %add3A_400, %gather3A_451 : vector<16xf32>
        %mul3A_453 = arith.constant 40 : i32
        %mul3A_454 = arith.muli %scan3A_216, %mul3A_453 : i32
        %add3A_455 = arith.constant 18 : i32
        %add3A_456 = arith.addi %mul3A_454, %add3A_455 : i32
        %get3A_457 = arith.index_cast %add3A_456 : i32 to index
        %get3A_458 = arith.index_cast %mul3A_201 : i32 to index
        %get3A_459 = tpu.vector_load %arg7[%get3A_457, %get3A_458] {strides = array<i32>} : memref<200x512xi32, #tpu.memory_space<vmem>>, vector<16xi32>,
        %shift_left3A_460 = arith.constant 4 : i32
        %shift_left3A_461 = vector.broadcast %shift_left3A_460 : i32 to vector<16xi32>
        %shift_left3A_462 = arith.shli %get3A_459, %shift_left3A_461 : vector<16xi32>
        %add3A_463 = arith.addi %shift_left3A_462, %iota3A : vector<16xi32>
        %gather3A_464 = tpu.vector_load_idx %arg9[%add3A_463] : memref<256xf32, #tpu.memory_space<vmem>>[vector<16xi32>], vector<16xf32>,
        %add3A_465 = arith.addf %add3A_413, %gather3A_464 : vector<16xf32>
        %mul3A_466 = arith.constant 40 : i32
        %mul3A_467 = arith.muli %scan3A_216, %mul3A_466 : i32
        %add3A_468 = arith.constant 19 : i32
        %add3A_469 = arith.addi %mul3A_467, %add3A_468 : i32
        %get3A_470 = arith.index_cast %add3A_469 : i32 to index
        %get3A_471 = arith.index_cast %mul3A_201 : i32 to index
        %get3A_472 = tpu.vector_load %arg7[%get3A_470, %get3A_471] {strides = array<i32>} : memref<200x512xi32, #tpu.memory_space<vmem>>, vector<16xi32>,
        %shift_left3A_473 = arith.constant 4 : i32
        %shift_left3A_474 = vector.broadcast %shift_left3A_473 : i32 to vector<16xi32>
        %shift_left3A_475 = arith.shli %get3A_472, %shift_left3A_474 : vector<16xi32>
        %add3A_476 = arith.addi %shift_left3A_475, %iota3A : vector<16xi32>
        %gather3A_477 = tpu.vector_load_idx %arg9[%add3A_476] : memref<256xf32, #tpu.memory_space<vmem>>[vector<16xi32>], vector<16xf32>,
        %add3A_478 = arith.addf %add3A_426, %gather3A_477 : vector<16xf32>
        %mul3A_479 = arith.constant 40 : i32
        %mul3A_480 = arith.muli %scan3A_216, %mul3A_479 : i32
        %add3A_481 = arith.constant 20 : i32
        %add3A_482 = arith.addi %mul3A_480, %add3A_481 : i32
        %get3A_483 = arith.index_cast %add3A_482 : i32 to index
        %get3A_484 = arith.index_cast %mul3A_201 : i32 to index
        %get3A_485 = tpu.vector_load %arg7[%get3A_483, %get3A_484] {strides = array<i32>} : memref<200x512xi32, #tpu.memory_space<vmem>>, vector<16xi32>,
        %shift_left3A_486 = arith.constant 4 : i32
        %shift_left3A_487 = vector.broadcast %shift_left3A_486 : i32 to vector<16xi32>
        %shift_left3A_488 = arith.shli %get3A_485, %shift_left3A_487 : vector<16xi32>
        %add3A_489 = arith.addi %shift_left3A_488, %iota3A : vector<16xi32>
        %gather3A_490 = tpu.vector_load_idx %arg9[%add3A_489] : memref<256xf32, #tpu.memory_space<vmem>>[vector<16xi32>], vector<16xf32>,
        %add3A_491 = arith.addf %add3A_439, %gather3A_490 : vector<16xf32>
        %mul3A_492 = arith.constant 40 : i32
        %mul3A_493 = arith.muli %scan3A_216, %mul3A_492 : i32
        %add3A_494 = arith.constant 21 : i32
        %add3A_495 = arith.addi %mul3A_493, %add3A_494 : i32
        %get3A_496 = arith.index_cast %add3A_495 : i32 to index
        %get3A_497 = arith.index_cast %mul3A_201 : i32 to index
        %get3A_498 = tpu.vector_load %arg7[%get3A_496, %get3A_497] {strides = array<i32>} : memref<200x512xi32, #tpu.memory_space<vmem>>, vector<16xi32>,
        %shift_left3A_499 = arith.constant 4 : i32
        %shift_left3A_500 = vector.broadcast %shift_left3A_499 : i32 to vector<16xi32>
        %shift_left3A_501 = arith.shli %get3A_498, %shift_left3A_500 : vector<16xi32>
        %add3A_502 = arith.addi %shift_left3A_501, %iota3A : vector<16xi32>
        %gather3A_503 = tpu.vector_load_idx %arg9[%add3A_502] : memref<256xf32, #tpu.memory_space<vmem>>[vector<16xi32>], vector<16xf32>,
        %add3A_504 = arith.addf %add3A_452, %gather3A_503 : vector<16xf32>
        %mul3A_505 = arith.constant 40 : i32
        %mul3A_506 = arith.muli %scan3A_216, %mul3A_505 : i32
        %add3A_507 = arith.constant 22 : i32
        %add3A_508 = arith.addi %mul3A_506, %add3A_507 : i32
        %get3A_509 = arith.index_cast %add3A_508 : i32 to index
        %get3A_510 = arith.index_cast %mul3A_201 : i32 to index
        %get3A_511 = tpu.vector_load %arg7[%get3A_509, %get3A_510] {strides = array<i32>} : memref<200x512xi32, #tpu.memory_space<vmem>>, vector<16xi32>,
        %shift_left3A_512 = arith.constant 4 : i32
        %shift_left3A_513 = vector.broadcast %shift_left3A_512 : i32 to vector<16xi32>
        %shift_left3A_514 = arith.shli %get3A_511, %shift_left3A_513 : vector<16xi32>
        %add3A_515 = arith.addi %shift_left3A_514, %iota3A : vector<16xi32>
        %gather3A_516 = tpu.vector_load_idx %arg9[%add3A_515] : memref<256xf32, #tpu.memory_space<vmem>>[vector<16xi32>], vector<16xf32>,
        %add3A_517 = arith.addf %add3A_465, %gather3A_516 : vector<16xf32>
        %mul3A_518 = arith.constant 40 : i32
        %mul3A_519 = arith.muli %scan3A_216, %mul3A_518 : i32
        %add3A_520 = arith.constant 23 : i32
        %add3A_521 = arith.addi %mul3A_519, %add3A_520 : i32
        %get3A_522 = arith.index_cast %add3A_521 : i32 to index
        %get3A_523 = arith.index_cast %mul3A_201 : i32 to index
        %get3A_524 = tpu.vector_load %arg7[%get3A_522, %get3A_523] {strides = array<i32>} : memref<200x512xi32, #tpu.memory_space<vmem>>, vector<16xi32>,
        %shift_left3A_525 = arith.constant 4 : i32
        %shift_left3A_526 = vector.broadcast %shift_left3A_525 : i32 to vector<16xi32>
        %shift_left3A_527 = arith.shli %get3A_524, %shift_left3A_526 : vector<16xi32>
        %add3A_528 = arith.addi %shift_left3A_527, %iota3A : vector<16xi32>
        %gather3A_529 = tpu.vector_load_idx %arg9[%add3A_528] : memref<256xf32, #tpu.memory_space<vmem>>[vector<16xi32>], vector<16xf32>,
        %add3A_530 = arith.addf %add3A_478, %gather3A_529 : vector<16xf32>
        %mul3A_531 = arith.constant 40 : i32
        %mul3A_532 = arith.muli %scan3A_216, %mul3A_531 : i32
        %add3A_533 = arith.constant 24 : i32
        %add3A_534 = arith.addi %mul3A_532, %add3A_533 : i32
        %get3A_535 = arith.index_cast %add3A_534 : i32 to index
        %get3A_536 = arith.index_cast %mul3A_201 : i32 to index
        %get3A_537 = tpu.vector_load %arg7[%get3A_535, %get3A_536] {strides = array<i32>} : memref<200x512xi32, #tpu.memory_space<vmem>>, vector<16xi32>,
        %shift_left3A_538 = arith.constant 4 : i32
        %shift_left3A_539 = vector.broadcast %shift_left3A_538 : i32 to vector<16xi32>
        %shift_left3A_540 = arith.shli %get3A_537, %shift_left3A_539 : vector<16xi32>
        %add3A_541 = arith.addi %shift_left3A_540, %iota3A : vector<16xi32>
        %gather3A_542 = tpu.vector_load_idx %arg9[%add3A_541] : memref<256xf32, #tpu.memory_space<vmem>>[vector<16xi32>], vector<16xf32>,
        %add3A_543 = arith.addf %add3A_491, %gather3A_542 : vector<16xf32>
        %mul3A_544 = arith.constant 40 : i32
        %mul3A_545 = arith.muli %scan3A_216, %mul3A_544 : i32
        %add3A_546 = arith.constant 25 : i32
        %add3A_547 = arith.addi %mul3A_545, %add3A_546 : i32
        %get3A_548 = arith.index_cast %add3A_547 : i32 to index
        %get3A_549 = arith.index_cast %mul3A_201 : i32 to index
        %get3A_550 = tpu.vector_load %arg7[%get3A_548, %get3A_549] {strides = array<i32>} : memref<200x512xi32, #tpu.memory_space<vmem>>, vector<16xi32>,
        %shift_left3A_551 = arith.constant 4 : i32
        %shift_left3A_552 = vector.broadcast %shift_left3A_551 : i32 to vector<16xi32>
        %shift_left3A_553 = arith.shli %get3A_550, %shift_left3A_552 : vector<16xi32>
        %add3A_554 = arith.addi %shift_left3A_553, %iota3A : vector<16xi32>
        %gather3A_555 = tpu.vector_load_idx %arg9[%add3A_554] : memref<256xf32, #tpu.memory_space<vmem>>[vector<16xi32>], vector<16xf32>,
        %add3A_556 = arith.addf %add3A_504, %gather3A_555 : vector<16xf32>
        %mul3A_557 = arith.constant 40 : i32
        %mul3A_558 = arith.muli %scan3A_216, %mul3A_557 : i32
        %add3A_559 = arith.constant 26 : i32
        %add3A_560 = arith.addi %mul3A_558, %add3A_559 : i32
        %get3A_561 = arith.index_cast %add3A_560 : i32 to index
        %get3A_562 = arith.index_cast %mul3A_201 : i32 to index
        %get3A_563 = tpu.vector_load %arg7[%get3A_561, %get3A_562] {strides = array<i32>} : memref<200x512xi32, #tpu.memory_space<vmem>>, vector<16xi32>,
        %shift_left3A_564 = arith.constant 4 : i32
        %shift_left3A_565 = vector.broadcast %shift_left3A_564 : i32 to vector<16xi32>
        %shift_left3A_566 = arith.shli %get3A_563, %shift_left3A_565 : vector<16xi32>
        %add3A_567 = arith.addi %shift_left3A_566, %iota3A : vector<16xi32>
        %gather3A_568 = tpu.vector_load_idx %arg9[%add3A_567] : memref<256xf32, #tpu.memory_space<vmem>>[vector<16xi32>], vector<16xf32>,
        %add3A_569 = arith.addf %add3A_517, %gather3A_568 : vector<16xf32>
        %mul3A_570 = arith.constant 40 : i32
        %mul3A_571 = arith.muli %scan3A_216, %mul3A_570 : i32
        %add3A_572 = arith.constant 27 : i32
        %add3A_573 = arith.addi %mul3A_571, %add3A_572 : i32
        %get3A_574 = arith.index_cast %add3A_573 : i32 to index
        %get3A_575 = arith.index_cast %mul3A_201 : i32 to index
        %get3A_576 = tpu.vector_load %arg7[%get3A_574, %get3A_575] {strides = array<i32>} : memref<200x512xi32, #tpu.memory_space<vmem>>, vector<16xi32>,
        %shift_left3A_577 = arith.constant 4 : i32
        %shift_left3A_578 = vector.broadcast %shift_left3A_577 : i32 to vector<16xi32>
        %shift_left3A_579 = arith.shli %get3A_576, %shift_left3A_578 : vector<16xi32>
        %add3A_580 = arith.addi %shift_left3A_579, %iota3A : vector<16xi32>
        %gather3A_581 = tpu.vector_load_idx %arg9[%add3A_580] : memref<256xf32, #tpu.memory_space<vmem>>[vector<16xi32>], vector<16xf32>,
        %add3A_582 = arith.addf %add3A_530, %gather3A_581 : vector<16xf32>
        %mul3A_583 = arith.constant 40 : i32
        %mul3A_584 = arith.muli %scan3A_216, %mul3A_583 : i32
        %add3A_585 = arith.constant 28 : i32
        %add3A_586 = arith.addi %mul3A_584, %add3A_585 : i32
        %get3A_587 = arith.index_cast %add3A_586 : i32 to index
        %get3A_588 = arith.index_cast %mul3A_201 : i32 to index
        %get3A_589 = tpu.vector_load %arg7[%get3A_587, %get3A_588] {strides = array<i32>} : memref<200x512xi32, #tpu.memory_space<vmem>>, vector<16xi32>,
        %shift_left3A_590 = arith.constant 4 : i32
        %shift_left3A_591 = vector.broadcast %shift_left3A_590 : i32 to vector<16xi32>
        %shift_left3A_592 = arith.shli %get3A_589, %shift_left3A_591 : vector<16xi32>
        %add3A_593 = arith.addi %shift_left3A_592, %iota3A : vector<16xi32>
        %gather3A_594 = tpu.vector_load_idx %arg9[%add3A_593] : memref<256xf32, #tpu.memory_space<vmem>>[vector<16xi32>], vector<16xf32>,
        %add3A_595 = arith.addf %add3A_543, %gather3A_594 : vector<16xf32>
        %mul3A_596 = arith.constant 40 : i32
        %mul3A_597 = arith.muli %scan3A_216, %mul3A_596 : i32
        %add3A_598 = arith.constant 29 : i32
        %add3A_599 = arith.addi %mul3A_597, %add3A_598 : i32
        %get3A_600 = arith.index_cast %add3A_599 : i32 to index
        %get3A_601 = arith.index_cast %mul3A_201 : i32 to index
        %get3A_602 = tpu.vector_load %arg7[%get3A_600, %get3A_601] {strides = array<i32>} : memref<200x512xi32, #tpu.memory_space<vmem>>, vector<16xi32>,
        %shift_left3A_603 = arith.constant 4 : i32
        %shift_left3A_604 = vector.broadcast %shift_left3A_603 : i32 to vector<16xi32>
        %shift_left3A_605 = arith.shli %get3A_602, %shift_left3A_604 : vector<16xi32>
        %add3A_606 = arith.addi %shift_left3A_605, %iota3A : vector<16xi32>
        %gather3A_607 = tpu.vector_load_idx %arg9[%add3A_606] : memref<256xf32, #tpu.memory_space<vmem>>[vector<16xi32>], vector<16xf32>,
        %add3A_608 = arith.addf %add3A_556, %gather3A_607 : vector<16xf32>
        %mul3A_609 = arith.constant 40 : i32
        %mul3A_610 = arith.muli %scan3A_216, %mul3A_609 : i32
        %add3A_611 = arith.constant 30 : i32
        %add3A_612 = arith.addi %mul3A_610, %add3A_611 : i32
        %get3A_613 = arith.index_cast %add3A_612 : i32 to index
        %get3A_614 = arith.index_cast %mul3A_201 : i32 to index
        %get3A_615 = tpu.vector_load %arg7[%get3A_613, %get3A_614] {strides = array<i32>} : memref<200x512xi32, #tpu.memory_space<vmem>>, vector<16xi32>,
        %shift_left3A_616 = arith.constant 4 : i32
        %shift_left3A_617 = vector.broadcast %shift_left3A_616 : i32 to vector<16xi32>
        %shift_left3A_618 = arith.shli %get3A_615, %shift_left3A_617 : vector<16xi32>
        %add3A_619 = arith.addi %shift_left3A_618, %iota3A : vector<16xi32>
        %gather3A_620 = tpu.vector_load_idx %arg9[%add3A_619] : memref<256xf32, #tpu.memory_space<vmem>>[vector<16xi32>], vector<16xf32>,
        %add3A_621 = arith.addf %add3A_569, %gather3A_620 : vector<16xf32>
        %mul3A_622 = arith.constant 40 : i32
        %mul3A_623 = arith.muli %scan3A_216, %mul3A_622 : i32
        %add3A_624 = arith.constant 31 : i32
        %add3A_625 = arith.addi %mul3A_623, %add3A_624 : i32
        %get3A_626 = arith.index_cast %add3A_625 : i32 to index
        %get3A_627 = arith.index_cast %mul3A_201 : i32 to index
        %get3A_628 = tpu.vector_load %arg7[%get3A_626, %get3A_627] {strides = array<i32>} : memref<200x512xi32, #tpu.memory_space<vmem>>, vector<16xi32>,
        %shift_left3A_629 = arith.constant 4 : i32
        %shift_left3A_630 = vector.broadcast %shift_left3A_629 : i32 to vector<16xi32>
        %shift_left3A_631 = arith.shli %get3A_628, %shift_left3A_630 : vector<16xi32>
        %add3A_632 = arith.addi %shift_left3A_631, %iota3A : vector<16xi32>
        %gather3A_633 = tpu.vector_load_idx %arg9[%add3A_632] : memref<256xf32, #tpu.memory_space<vmem>>[vector<16xi32>], vector<16xf32>,
        %add3A_634 = arith.addf %add3A_582, %gather3A_633 : vector<16xf32>
        %mul3A_635 = arith.constant 40 : i32
        %mul3A_636 = arith.muli %scan3A_216, %mul3A_635 : i32
        %add3A_637 = arith.constant 32 : i32
        %add3A_638 = arith.addi %mul3A_636, %add3A_637 : i32
        %get3A_639 = arith.index_cast %add3A_638 : i32 to index
        %get3A_640 = arith.index_cast %mul3A_201 : i32 to index
        %get3A_641 = tpu.vector_load %arg7[%get3A_639, %get3A_640] {strides = array<i32>} : memref<200x512xi32, #tpu.memory_space<vmem>>, vector<16xi32>,
        %shift_left3A_642 = arith.constant 4 : i32
        %shift_left3A_643 = vector.broadcast %shift_left3A_642 : i32 to vector<16xi32>
        %shift_left3A_644 = arith.shli %get3A_641, %shift_left3A_643 : vector<16xi32>
        %add3A_645 = arith.addi %shift_left3A_644, %iota3A : vector<16xi32>
        %gather3A_646 = tpu.vector_load_idx %arg9[%add3A_645] : memref<256xf32, #tpu.memory_space<vmem>>[vector<16xi32>], vector<16xf32>,
        %add3A_647 = arith.addf %add3A_595, %gather3A_646 : vector<16xf32>
        %mul3A_648 = arith.constant 40 : i32
        %mul3A_649 = arith.muli %scan3A_216, %mul3A_648 : i32
        %add3A_650 = arith.constant 33 : i32
        %add3A_651 = arith.addi %mul3A_649, %add3A_650 : i32
        %get3A_652 = arith.index_cast %add3A_651 : i32 to index
        %get3A_653 = arith.index_cast %mul3A_201 : i32 to index
        %get3A_654 = tpu.vector_load %arg7[%get3A_652, %get3A_653] {strides = array<i32>} : memref<200x512xi32, #tpu.memory_space<vmem>>, vector<16xi32>,
        %shift_left3A_655 = arith.constant 4 : i32
        %shift_left3A_656 = vector.broadcast %shift_left3A_655 : i32 to vector<16xi32>
        %shift_left3A_657 = arith.shli %get3A_654, %shift_left3A_656 : vector<16xi32>
        %add3A_658 = arith.addi %shift_left3A_657, %iota3A : vector<16xi32>
        %gather3A_659 = tpu.vector_load_idx %arg9[%add3A_658] : memref<256xf32, #tpu.memory_space<vmem>>[vector<16xi32>], vector<16xf32>,
        %add3A_660 = arith.addf %add3A_608, %gather3A_659 : vector<16xf32>
        %mul3A_661 = arith.constant 40 : i32
        %mul3A_662 = arith.muli %scan3A_216, %mul3A_661 : i32
        %add3A_663 = arith.constant 34 : i32
        %add3A_664 = arith.addi %mul3A_662, %add3A_663 : i32
        %get3A_665 = arith.index_cast %add3A_664 : i32 to index
        %get3A_666 = arith.index_cast %mul3A_201 : i32 to index
        %get3A_667 = tpu.vector_load %arg7[%get3A_665, %get3A_666] {strides = array<i32>} : memref<200x512xi32, #tpu.memory_space<vmem>>, vector<16xi32>,
        %shift_left3A_668 = arith.constant 4 : i32
        %shift_left3A_669 = vector.broadcast %shift_left3A_668 : i32 to vector<16xi32>
        %shift_left3A_670 = arith.shli %get3A_667, %shift_left3A_669 : vector<16xi32>
        %add3A_671 = arith.addi %shift_left3A_670, %iota3A : vector<16xi32>
        %gather3A_672 = tpu.vector_load_idx %arg9[%add3A_671] : memref<256xf32, #tpu.memory_space<vmem>>[vector<16xi32>], vector<16xf32>,
        %add3A_673 = arith.addf %add3A_621, %gather3A_672 : vector<16xf32>
        %mul3A_674 = arith.constant 40 : i32
        %mul3A_675 = arith.muli %scan3A_216, %mul3A_674 : i32
        %add3A_676 = arith.constant 35 : i32
        %add3A_677 = arith.addi %mul3A_675, %add3A_676 : i32
        %get3A_678 = arith.index_cast %add3A_677 : i32 to index
        %get3A_679 = arith.index_cast %mul3A_201 : i32 to index
        %get3A_680 = tpu.vector_load %arg7[%get3A_678, %get3A_679] {strides = array<i32>} : memref<200x512xi32, #tpu.memory_space<vmem>>, vector<16xi32>,
        %shift_left3A_681 = arith.constant 4 : i32
        %shift_left3A_682 = vector.broadcast %shift_left3A_681 : i32 to vector<16xi32>
        %shift_left3A_683 = arith.shli %get3A_680, %shift_left3A_682 : vector<16xi32>
        %add3A_684 = arith.addi %shift_left3A_683, %iota3A : vector<16xi32>
        %gather3A_685 = tpu.vector_load_idx %arg9[%add3A_684] : memref<256xf32, #tpu.memory_space<vmem>>[vector<16xi32>], vector<16xf32>,
        %add3A_686 = arith.addf %add3A_634, %gather3A_685 : vector<16xf32>
        %mul3A_687 = arith.constant 40 : i32
        %mul3A_688 = arith.muli %scan3A_216, %mul3A_687 : i32
        %add3A_689 = arith.constant 36 : i32
        %add3A_690 = arith.addi %mul3A_688, %add3A_689 : i32
        %get3A_691 = arith.index_cast %add3A_690 : i32 to index
        %get3A_692 = arith.index_cast %mul3A_201 : i32 to index
        %get3A_693 = tpu.vector_load %arg7[%get3A_691, %get3A_692] {strides = array<i32>} : memref<200x512xi32, #tpu.memory_space<vmem>>, vector<16xi32>,
        %shift_left3A_694 = arith.constant 4 : i32
        %shift_left3A_695 = vector.broadcast %shift_left3A_694 : i32 to vector<16xi32>
        %shift_left3A_696 = arith.shli %get3A_693, %shift_left3A_695 : vector<16xi32>
        %add3A_697 = arith.addi %shift_left3A_696, %iota3A : vector<16xi32>
        %gather3A_698 = tpu.vector_load_idx %arg9[%add3A_697] : memref<256xf32, #tpu.memory_space<vmem>>[vector<16xi32>], vector<16xf32>,
        %add3A_699 = arith.addf %add3A_647, %gather3A_698 : vector<16xf32>
        %mul3A_700 = arith.constant 40 : i32
        %mul3A_701 = arith.muli %scan3A_216, %mul3A_700 : i32
        %add3A_702 = arith.constant 37 : i32
        %add3A_703 = arith.addi %mul3A_701, %add3A_702 : i32
        %get3A_704 = arith.index_cast %add3A_703 : i32 to index
        %get3A_705 = arith.index_cast %mul3A_201 : i32 to index
        %get3A_706 = tpu.vector_load %arg7[%get3A_704, %get3A_705] {strides = array<i32>} : memref<200x512xi32, #tpu.memory_space<vmem>>, vector<16xi32>,
        %shift_left3A_707 = arith.constant 4 : i32
        %shift_left3A_708 = vector.broadcast %shift_left3A_707 : i32 to vector<16xi32>
        %shift_left3A_709 = arith.shli %get3A_706, %shift_left3A_708 : vector<16xi32>
        %add3A_710 = arith.addi %shift_left3A_709, %iota3A : vector<16xi32>
        %gather3A_711 = tpu.vector_load_idx %arg9[%add3A_710] : memref<256xf32, #tpu.memory_space<vmem>>[vector<16xi32>], vector<16xf32>,
        %add3A_712 = arith.addf %add3A_660, %gather3A_711 : vector<16xf32>
        %mul3A_713 = arith.constant 40 : i32
        %mul3A_714 = arith.muli %scan3A_216, %mul3A_713 : i32
        %add3A_715 = arith.constant 38 : i32
        %add3A_716 = arith.addi %mul3A_714, %add3A_715 : i32
        %get3A_717 = arith.index_cast %add3A_716 : i32 to index
        %get3A_718 = arith.index_cast %mul3A_201 : i32 to index
        %get3A_719 = tpu.vector_load %arg7[%get3A_717, %get3A_718] {strides = array<i32>} : memref<200x512xi32, #tpu.memory_space<vmem>>, vector<16xi32>,
        %shift_left3A_720 = arith.constant 4 : i32
        %shift_left3A_721 = vector.broadcast %shift_left3A_720 : i32 to vector<16xi32>
        %shift_left3A_722 = arith.shli %get3A_719, %shift_left3A_721 : vector<16xi32>
        %add3A_723 = arith.addi %shift_left3A_722, %iota3A : vector<16xi32>
        %gather3A_724 = tpu.vector_load_idx %arg9[%add3A_723] : memref<256xf32, #tpu.memory_space<vmem>>[vector<16xi32>], vector<16xf32>,
        %add3A_725 = arith.addf %add3A_673, %gather3A_724 : vector<16xf32>
        %mul3A_726 = arith.constant 40 : i32
        %mul3A_727 = arith.muli %scan3A_216, %mul3A_726 : i32
        %add3A_728 = arith.constant 39 : i32
        %add3A_729 = arith.addi %mul3A_727, %add3A_728 : i32
        %get3A_730 = arith.index_cast %add3A_729 : i32 to index
        %get3A_731 = arith.index_cast %mul3A_201 : i32 to index
        %get3A_732 = tpu.vector_load %arg7[%get3A_730, %get3A_731] {strides = array<i32>} : memref<200x512xi32, #tpu.memory_space<vmem>>, vector<16xi32>,
        %shift_left3A_733 = arith.constant 4 : i32
        %shift_left3A_734 = vector.broadcast %shift_left3A_733 : i32 to vector<16xi32>
        %shift_left3A_735 = arith.shli %get3A_732, %shift_left3A_734 : vector<16xi32>
        %add3A_736 = arith.addi %shift_left3A_735, %iota3A : vector<16xi32>
        %gather3A_737 = tpu.vector_load_idx %arg9[%add3A_736] : memref<256xf32, #tpu.memory_space<vmem>>[vector<16xi32>], vector<16xf32>,
        %add3A_738 = arith.addf %add3A_686, %gather3A_737 : vector<16xf32>
        scf.yield %add3A_699, %add3A_712, %add3A_725, %add3A_738 : vector<16xf32>, vector<16xf32>, vector<16xf32>, vector<16xf32>
      }
      %scan3A_207 = arith.constant 5 : i32
      %add3A_208 = arith.addf %scan3A_206#0, %scan3A_206#1 : vector<16xf32>
      %add3A_209 = arith.addf %scan3A_206#2, %scan3A_206#3 : vector<16xf32>
      %add3A_210 = arith.addf %add3A_208, %add3A_209 : vector<16xf32>
      %get3A_211 = arith.index_cast %mul3A_201 : i32 to index
      %get3A_212 = tpu.vector_load %arg10[%get3A_211] {strides = array<i32>} : memref<512xf32, #tpu.memory_space<vmem>>, vector<16xf32>,
      %add3A_213 = arith.addf %add3A_210, %get3A_212 : vector<16xf32>
      %swap3A_214 = arith.index_cast %mul3A_201 : i32 to index
      %swap3A_215 = tpu.vector_load %arg11[%swap3A_214] {strides = array<i32>} : memref<512xf32, #tpu.memory_space<vmem>>, vector<16xf32>,
      tpu.vector_store %arg11[%swap3A_214], %add3A_213 {strides = array<i32>} : memref<512xf32, #tpu.memory_space<vmem>>, vector<16xf32>,
    }
    %scan3A_178 = arith.constant 16 : i32
    "tpu.region"() ({
      %run_scoped3A = tpu.sem_alloc : memref<!tpu.dma_semaphore, #tpu.memory_space<semaphore_mem>>
      %dma_start3A_199 = tpu.memref_slice %arg6[%mul3A_2] : memref<16384xf32, #tpu.memory_space<hbm>> -> memref<512xf32, #tpu.memory_space<hbm>>
      %dma_start3A_200 = tpu.memref_slice %arg6[%mul3A_2] : memref<16384xf32, #tpu.memory_space<hbm>> -> memref<512xf32, #tpu.memory_space<hbm>>
      tpu.enqueue_dma source(%arg11 : memref<512xf32, #tpu.memory_space<vmem>>) target(%dma_start3A_200 : memref<512xf32, #tpu.memory_space<hbm>>) target_semaphore(%run_scoped3A : memref<!tpu.dma_semaphore, #tpu.memory_space<semaphore_mem>>)
      %dma_wait3A_201 = tpu.memref_slice %arg6[%mul3A_2] : memref<16384xf32, #tpu.memory_space<hbm>> -> memref<512xf32, #tpu.memory_space<hbm>>
      %dma_wait3A_202 = tpu.memref_slice %arg6[%mul3A_2] : memref<16384xf32, #tpu.memory_space<hbm>> -> memref<512xf32, #tpu.memory_space<hbm>>
      tpu.wait_dma2 semaphore(%run_scoped3A : memref<!tpu.dma_semaphore, #tpu.memory_space<semaphore_mem>>) src(%arg11 : memref<512xf32, #tpu.memory_space<vmem>>) dst(%dma_wait3A_202 : memref<512xf32, #tpu.memory_space<hbm>>)
      tpu.yield
    }) : () -> ()
    %dma_wait3A_179 = arith.constant 0 : i32
    %dma_wait3A_180 = arith.constant 0 : i32
    %dma_wait3A_181 = tpu.memref_slice %arg7[%dma_wait3A_179, %dma_wait3A_180] : memref<200x512xi32, #tpu.memory_space<vmem>> -> memref<200x256xi32, #tpu.memory_space<vmem>>
    %dma_wait3A_182 = arith.constant 0 : i32
    %dma_wait3A_183 = tpu.memref_slice %arg5[%dma_wait3A_182, %add3A_135] : memref<200x16384xi32, #tpu.memory_space<hbm>> -> memref<200x256xi32, #tpu.memory_space<hbm>>
    %dma_wait3A_184 = arith.constant 0 : i32
    %dma_wait3A_185 = tpu.memref_slice %arg5[%dma_wait3A_184, %add3A_135] : memref<200x16384xi32, #tpu.memory_space<hbm>> -> memref<200x256xi32, #tpu.memory_space<hbm>>
    %dma_wait3A_186 = arith.constant 0 : i32
    %dma_wait3A_187 = arith.constant 0 : i32
    %dma_wait3A_188 = tpu.memref_slice %arg7[%dma_wait3A_186, %dma_wait3A_187] : memref<200x512xi32, #tpu.memory_space<vmem>> -> memref<200x256xi32, #tpu.memory_space<vmem>>
    tpu.wait_dma2 semaphore(%arg14 : memref<!tpu.dma_semaphore, #tpu.memory_space<semaphore_mem>>) src(%dma_wait3A_188 : memref<200x256xi32, #tpu.memory_space<vmem>>) dst(%dma_wait3A_185 : memref<200x256xi32, #tpu.memory_space<hbm>>)
    %dma_wait3A_189 = arith.constant 0 : i32
    %dma_wait3A_190 = arith.constant 256 : i32
    %dma_wait3A_191 = tpu.memref_slice %arg7[%dma_wait3A_189, %dma_wait3A_190] : memref<200x512xi32, #tpu.memory_space<vmem>> -> memref<200x256xi32, #tpu.memory_space<vmem>>
    %dma_wait3A_192 = arith.constant 0 : i32
    %dma_wait3A_193 = tpu.memref_slice %arg5[%dma_wait3A_192, %add3A_162] : memref<200x16384xi32, #tpu.memory_space<hbm>> -> memref<200x256xi32, #tpu.memory_space<hbm>>
    %dma_wait3A_194 = arith.constant 0 : i32
    %dma_wait3A_195 = tpu.memref_slice %arg5[%dma_wait3A_194, %add3A_162] : memref<200x16384xi32, #tpu.memory_space<hbm>> -> memref<200x256xi32, #tpu.memory_space<hbm>>
    %dma_wait3A_196 = arith.constant 0 : i32
    %dma_wait3A_197 = arith.constant 256 : i32
    %dma_wait3A_198 = tpu.memref_slice %arg7[%dma_wait3A_196, %dma_wait3A_197] : memref<200x512xi32, #tpu.memory_space<vmem>> -> memref<200x256xi32, #tpu.memory_space<vmem>>
    tpu.wait_dma2 semaphore(%arg15 : memref<!tpu.dma_semaphore, #tpu.memory_space<semaphore_mem>>) src(%dma_wait3A_198 : memref<200x256xi32, #tpu.memory_space<vmem>>) dst(%dma_wait3A_195 : memref<200x256xi32, #tpu.memory_space<hbm>>)
    return
  }
}

</mosaic_0001>

<sc_bundles>
// kernel: kernel.3.cloned.1.call-start
scs
__scs_entry_jumppad:
0x0: {  	(pc) =	sbr.rel $0x88, $3  }
0x1: {  	(tag) =	ssettag $0x0;
	lr =	simm.s32 $0x1  }
0x2: {  	[smem:$0x3F9E] =	sst lr;
	_ =	strace $0xD0000000  }
0x3: {  	_ = 	snop  }
0x4: {  	_ = 	snop  }
0x5: {  	_ = 	snop  }
0x6: {  	_ = 	snop  }
0x7: {  	_ = 	snop  }
__scs_overlays_trampoline_lowered:
0x8: {  	[smem:$0x3FAD] =	sst s0  }
0x9: {  	[smem:$0x3FAE] =	sst s1  }
0xa: {  	[smem:$0x3FAF] =	sst s2  }
0xb: {  	[smem:$0x3FB0] =	sst s3  }
0xc: {  	[smem:$0x3FB1] =	sst s4  }
0xd: {  	[smem:$0x3FB2] =	sst s5  }
0xe: {  	[smem:$0x3FB3] =	sst s6  }
0xf: {  	[smem:$0x3FB4] =	sst s7  }
0x10: {  	[smem:$0x3FB5] =	sst s8  }
0x11: {  	[smem:$0x3FB6] =	sst s9;
	s0 =	simm.s32 @!p0 $0x0  }
0x12: {  	s1 =	sld [smem:$0x3F9C];
	s0 =	simm.s32 @p0 $0x1  }
0x13: {  	[smem:$0x3FB7] =	sst s0;
	s0 =	simm.s32 @!p1 $0x0  }
0x14: {  	s2 =	sld [smem:$0x3F9B];
	s0 =	simm.s32 @p1 $0x1  }
0x15: {  	[smem:$0x3FB8] =	sst s0;
	s0 =	simm.s32 @!p2 $0x0  }
0x16: {  	s3 =	sld [smem:$0x3FDB];
	s0 =	simm.s32 @p2 $0x1  }
0x17: {  	s4 =	simm.s32 $0x1BF5;
	[smem:$0x3FBA] =	sst s0  }
0x18: {  	s0 =	sld [smem:$0x3F9D];
	_ =	swait.ge [sflag:s4], $0x0  }
0x19: {  	s7 =	sld [smem:$0x3F9E]  }
0x1a: {  	s8 =	sadd.s32 $0xFFFFE003, lr  }
0x1b: {  	s9 =	sadd.s32 $0xFFFFFEF7, lr;
	s5 =	simm.s32 $0xFFFFFFFF;
	p2 =	slt.u32 s8, $0xFFFFF086  }
0x1c: {  	p1 =	slt.u32 s9, $0xF7A;
	s5 =	simm.s32 @!p2 $0x0  }
0x1d: {  	s5 =	simm.s32 @p1 $0x1;
	p0 =	seq.s32 s7, s2  }
0x1e: {  	s7 =	smul.u32 @!p0 $0xF7A, s2;
	p2 =	seq.s32 @!p0 s5, $0x0  }
0x1f: {  	s9 =	smul.u32 $0xF7A, s1;
	s8 =	simm.s32 @!p0 $0x1BF5;
	p2 =	por !p2, p0  }
0x20: {  	[sflag:s8] =	ssyncset.s32 @!p0 $0xFFFFF086;
	s6 =	sadd.s32 @!p0 s3, s7;
	s7 =	simm.s32 @!p0 $0x108  }
0x21: {  	s3 =	sadd.s32 s3, s9;
	s6 =	sadd.s32 @!p0 $0x88, s6;
	s7 =	simm.s32 @p2 $0x1082  }
0x22: {  	[simem:s7], [sflag:s8] =	dma.local @!p0 [hbm:s6], $0xF7A  }
0x23: {  	s9 =	sor.u32 $0xD0000000, s2;
	s6 =	simm.s32 $0x108;
	_ =	swait.ge @!p0 [sflag:s8], $0x0  }
0x24: {  	s3 =	sadd.s32 $0x88, s3;
	s6 =	simm.s32 @!p1 $0x1082;
	[sflag:s4] =	ssyncset.s32 $0xFFFFF086  }
0x25: {  	[simem:s6], [sflag:s4] =	dma.local [hbm:s3], $0xF7A  }
0x26: {  	[smem:$0x3F9E] =	sst s1;
	(tag) =	ssettag s2;
	_ =	strace s9  }
0x27: {  	s1 =	sld [smem:$0x3FAE]  }
0x28: {  	s2 =	sld [smem:$0x3FAF]  }
0x29: {  	s4 =	sld [smem:$0x3FB1]  }
0x2a: {  	p0 =	seq.s32 s5, $0x0;
	s5 =	sld [smem:$0x3FB2]  }
0x2b: {  	s6 =	sld [smem:$0x3FB3]  }
0x2c: {  	s7 =	sld [smem:$0x3FB4]  }
0x2d: {  	s3 =	simm.s32 $0x108;
	s8 =	sld [smem:$0x3FB5]  }
0x2e: {  	s3 =	simm.s32 @!p0 $0x1082;
	s9 =	sld [smem:$0x3FB6]  }
0x2f: {  	lr =	sadd.s32 s0, s3;
	s0 =	sld [smem:$0x3FAD]  }
0x30: {  	s3 =	sld [smem:$0x3FB0]  }
0x31: {  	[smem:$0x3FB9] =	sst s10  }
0x32: {  	s10 =	sld [smem:$0x3FB7];
	_ =	sdelay $0x3  }
0x33: {  	p0 =	seq.s32 s10, $0x1;
	s10 =	sld [smem:$0x3FB9];
	_ =	sdelay $0x3  }
0x34: {  	[smem:$0x3FB9] =	sst s10  }
0x35: {  	s10 =	sld [smem:$0x3FB8];
	_ =	sdelay $0x3  }
0x36: {  	p1 =	seq.s32 s10, $0x1;
	s10 =	sld [smem:$0x3FB9];
	_ =	sdelay $0x3  }
0x37: {  	[smem:$0x3FB9] =	sst s10  }
0x38: {  	s10 =	sld [smem:$0x3FBA]  }
0x39: {  	_ = 	snop;
	(pc) =	sbr.ind lr, $3  }
0x3a: {  	_ = 	snop  }
0x3b: {  	_ = 	snop  }
0x3c: {  	p2 =	seq.s32 s10, $0x1;
	s10 =	sld [smem:$0x3FB9]  }
0x3d: {  	_ =	shalt  }
0x3e: {  	_ =	shalt  }
0x3f: {  	_ =	shalt  }
0x40: {  	_ =	shalt  }
0x41: {  	_ =	shalt  }
0x42: {  	_ =	shalt  }
0x43: {  	_ =	shalt  }
0x44: {  	_ =	shalt  }
0x45: {  	_ =	shalt  }
0x46: {  	_ =	shalt  }
0x47: {  	_ =	shalt  }
0x48: {  	_ =	shalt  }
0x49: {  	_ =	shalt  }
0x4a: {  	_ =	shalt  }
0x4b: {  	_ =	shalt  }
0x4c: {  	_ =	shalt  }
0x4d: {  	_ =	shalt  }
0x4e: {  	_ =	shalt  }
0x4f: {  	_ =	shalt  }
0x50: {  	_ =	shalt  }
0x51: {  	_ =	shalt  }
0x52: {  	_ =	shalt  }
0x53: {  	_ =	shalt  }
0x54: {  	_ =	shalt  }
0x55: {  	_ =	shalt  }
0x56: {  	_ =	shalt  }
0x57: {  	_ =	shalt  }
0x58: {  	_ =	shalt  }
0x59: {  	_ =	shalt  }
0x5a: {  	_ =	shalt  }
0x5b: {  	_ =	shalt  }
0x5c: {  	_ =	shalt  }
0x5d: {  	_ =	shalt  }
0x5e: {  	_ =	shalt  }
0x5f: {  	_ =	shalt  }
0x60: {  	_ =	shalt  }
0x61: {  	_ =	shalt  }
0x62: {  	_ =	shalt  }
0x63: {  	_ =	shalt  }
0x64: {  	_ =	shalt  }
0x65: {  	_ =	shalt  }
0x66: {  	_ =	shalt  }
0x67: {  	_ =	shalt  }
0x68: {  	_ =	shalt  }
0x69: {  	_ =	shalt  }
0x6a: {  	_ =	shalt  }
0x6b: {  	_ =	shalt  }
0x6c: {  	_ =	shalt  }
0x6d: {  	_ =	shalt  }
0x6e: {  	_ =	shalt  }
0x6f: {  	_ =	shalt  }
0x70: {  	_ =	shalt  }
0x71: {  	_ =	shalt  }
0x72: {  	_ =	shalt  }
0x73: {  	_ =	shalt  }
0x74: {  	_ =	shalt  }
0x75: {  	_ =	shalt  }
0x76: {  	_ =	shalt  }
0x77: {  	_ =	shalt  }
0x78: {  	_ =	shalt  }
0x79: {  	_ =	shalt  }
0x7a: {  	_ =	shalt  }
0x7b: {  	_ =	shalt  }
0x7c: {  	_ =	shalt  }
0x7d: {  	_ =	shalt  }
0x7e: {  	_ =	shalt  }
0x7f: {  	_ =	shalt  }
0x80: {  	_ =	shalt  }
0x81: {  	_ =	shalt  }
0x82: {  	_ =	shalt  }
0x83: {  	_ =	shalt  }
0x84: {  	_ =	shalt  }
0x85: {  	_ =	shalt  }
0x86: {  	_ =	shalt  }
0x87: {  	_ =	shalt  }
.Lfunc_end0:
.L_simem_size_0:
called_computation_lowered:
.L_overlay_start_0:
0x88: {  	s2 =	sld [smem:$0x3FD9]  }
0x89: {  	s3 =	sld [smem:$0x3FFE];
	_ =	sdelay $0x1  }
0x8a: {  	s1 =	srdreg.scid  }
0x8b: {  	s0 =	sand.u32 $0x1, s1  }
0x8c: {  	s15 =	sshll.u32 s0, $0xA;
	s2 =	sadd.s32 s3, s2  }
0x8d: {  	s2 =	sadd.s32 s2, s15  }
0x8e: {  	[smem:$0x3FC5] =	sst s2  }
0x8f: {  	_ = 	snop  }
0x90: {  	s2 =	sld [smem:$0x3FD0]  }
0x91: {  	s16 =	sld [smem:$0x3FC9]  }
0x92: {  	s4 =	sld [smem:$0x3FC8]  }
0x93: {  	s6 =	simm.s32 $0xA;
	s7 =	simm.s32 $0x10;
	s5 =	sld [smem:$0x3FC7]  }
0x94: {  	[smem:s7], [sflag:s6] =	dma.local [hbm:s2], $0x1  }
0x95: {  	_ =	swait.eq [sflag:s6], $0x1  }
0x96: {  	[sflag:s6] =	ssyncset.done $0x0  }
0x97: {  	s17 =	sld [smem:$0x10];
	[sflag:s6] =	ssyncadd.s32 $0xFFFFFFFF  }
0x98: {  	s18 =	sld [smem:$0x11];
	(tm) =	ssettm $0x1  }
0x99: {  	s19 =	sld [smem:$0x3FFB];
	_ =	sdelay $0x3  }
0x9a: {  	_ =	strace s19  }
0x9b: {  	s7 =	sld [smem:$0x3FFC];
	_ =	sdelay $0x3  }
0x9c: {  	_ =	strace s7  }
0x9d: {  	s7 =	sld [smem:$0x3FFD];
	_ =	sdelay $0x3  }
0x9e: {  	_ =	strace s7  }
0x9f: {  	_ =	strace $0x8FFFFFFF  }
0xa0: {  	s20 =	sld [smem:$0x3FDB];
	_ =	sdelay $0x1  }
0xa1: {  	s8 =	simm.s32 $_scs_section_size  }
0xa2: {  	s9 =	simm.s32 $_size__tile_overlayer_lowered;
	s10 =	simm.s32 $_tile_overlayer_lowered  }
0xa3: {  	s23 =	simm.s32 $0x1BFF;
	s22 =	sshll.u32 s10, $0x1;
	s7 =	sadd.s32 s8, s20  }
0xa4: {  	s11 =	simm.s32 $0x0;
	s21 =	sshll.u32 s9, $0x1;
	s9 =	sadd.s32 s22, s7  }
0xa5: {  	[timem:s11], [sflag:s23] =	dma.local [hbm:s9], s21  }
0xa6: {  	_ =	swait.ge [sflag:s23], s21  }
0xa7: {  	s8 =	ssub.s32 $0x0, s21;
	[sflag:s23] =	ssyncset.done $0x0  }
0xa8: {  	[sflag:s23] =	ssyncadd.s32 s8;
	_ =	sdelay $0x1  }
0xa9: {  	s24 =	simm.s32 $0x1B8B  }
0xaa: {  	_ =	swait.ge [sflag:s24], $0x1  }
0xab: {  	[sflag:s24] =	ssyncset.done $0x0  }
0xac: {  	s25 =	simm.s32 $0x1B8E;
	[sflag:s24] =	ssyncadd.s32 $0xFFFFFFFF  }
0xad: {  	s26 =	simm.s32 $execute0_lowered;
	[smem:$0x3FD2] =	sst s25  }
0xae: {  	s8 =	sshll.u32 s26, $0x1;
	_ =	strace $0x80000046;
	[dreg:$0x1] =	wrdreg $0xFFFFFFFF  }
0xaf: {  	s28 =	simm.s32 $_size_execute0_lowered;
	s7 =	sadd.s32 s7, s8;
	[dreg:$0x0] =	wrdreg $0x0  }
0xb0: {  	s8 =	sshll.u32 s28, $0x1;
	[dreg:$0x2] =	wrdreg s7  }
0xb1: {  	[dreg:$0x3] =	wrdreg s8  }
0xb2: {  	[dreg:$0x4] =	wrdreg $0xC0  }
0xb3: {  	_ =	task [dreg:s11], $0x5FFFF  }
0xb4: {  	[dreg:$0x1] =	wrdreg $0xFFFFFFFF  }
0xb5: {  	[dreg:$0x0] =	wrdreg $0x60  }
0xb6: {  	[dreg:$0x2] =	wrdreg s16  }
0xb7: {  	[dreg:$0x3] =	wrdreg s4  }
0xb8: {  	[dreg:$0x4] =	wrdreg s5  }
0xb9: {  	[dreg:$0x5] =	wrdreg s17  }
0xba: {  	[dreg:$0x6] =	wrdreg s18  }
0xbb: {  	[dreg:$0x7] =	wrdreg $0x9  }
0xbc: {  	_ =	task.clear_ibuf [dreg:s11], $0x8FFFF;
	_ =	strace $0x90000046  }
0xbd: {  	s29 =	simm.s32 $0x9;
	_ =	strace $0x80000048  }
0xbe: {  	_ =	swait.ge [sflag:s29], $0x1  }
0xbf: {  	[sflag:s29] =	ssyncadd.s32 $0xFFFFFFFF  }
0xc0: {  	_ =	strace $0x90000048  }
0xc1: {  	_ =	sfence  }
0xc2: {  	s30 =	sld [smem:$0x0];
	_ =	sdelay $0x2  }
0xc3: {  	s31 =	sshll.u32 s1, $0xD;
	s1 =	sshrl.u32 s1, $0x2  }
0xc4: {  	s3 =	sand.u32 $0x4000, s31;
	s1 =	sadd.s32 s1, s30  }
0xc5: {  	s0 =	sor.u32 s3, s0;
	s1 =	sshll.u32 s1, $0x11  }
0xc6: {  	s0 =	sor.u32 s1, s0  }
0xc7: {  	s0 =	sadd.s32 $0x8F2B, s0  }
0xc8: {  	[sflag:s0] =	ssyncadd.remote.s32 $0x1  }
0xc9: {  	_ =	sfence.sel $0xFFFF  }
0xca: {  	[dreg:$0x0] =	wrdreg $0xFFFFFFFF;
	(pc) =	sbr.abs _section_cstart, $3  }
0xcb: {  	[dreg:$0x1] =	wrdreg $0xFFFFFFFF  }
0xcc: {  	_ =	task.clear_ibuf [dreg:s11], $0x2FFFF;
	_ =	strace $0x9FFFFFFF  }
0xcd: {  	(tm) =	ssettm $0x7FFFFFFF  }
tec
execute0_lowered:
.L_overlay_start_1:
0x0: {  	(tag) =	ssettag $0x1  }
0x1: {  	s5 =	rddreg [dreg:$0x0]  }
0x2: {  	s6 =	rddreg [dreg:$0x1]  }
0x3: {  	s1 =	rddreg [dreg:$0x2]  }
0x4: {  	s8 =	rddreg [dreg:$0x3]  }
0x5: {  	s9 =	rddreg [dreg:$0x4]  }
0x6: {  	s0 =	rddreg [dreg:$0x5];
	s4 =	srdreg.scid  }
0x7: {  	s3 =	simm.s32 $0x0;
	s2 =	stileid.u32;
	s14 =	simm.s32 $0x19080  }
0x8: {  	s15 =	simm.s32 $0x1;
	s16 =	simm.s32 $0x2;
	s17 =	simm.s32 $0x19380  }
0x9: {  	v0 =	vlaneseq.u32;
	s18 =	simm.s32 $0x3;
	s19 =	simm.s32 $0x4;
	s4 =	sand.u32 $0x1, s4  }
0xa: {  	s20 =	simm.s32 $0x0;
	s10 =	sshll.u32 s2, $0xA;
	v1 =	vmul.u32 $0x10, v0;
	s7 =	ssub.s32 $0x2, s4  }
0xb: {  	[smem:$0x7FF] =	sst s3;
	s4 =	sshll.u32 s4, $0x9;
	s11 =	sshrl.u32 s7, $0x1  }
0xc: {  	_ =	strace $0x80000047;
	s10 =	sor.u32 s4, s10;
	v2 =	vor.u32 $0x1, v1;
	v6 =	vor.u32 $0x4, v1;
	v7 =	vor.u32 $0x5, v1;
	s11 =	ssub.s32 s7, s11  }
0xd: {  	v8 =	vor.u32 $0x6, v1;
	v9 =	vor.u32 $0x7, v1;
	v10 =	vor.u32 $0x8, v1;
	s12 =	sor.u32 $0x100, s10;
	s4 =	sadd.s32 s5, s10;
	s13 =	sshrl.u32 s10, $0x3  }
0xe: {  	v11 =	vor.u32 $0x9, v1;
	v12 =	vor.u32 $0xA, v1;
	s7 =	sadd.s32 s8, s10;
	[tilespmem:$0x1FFD0] =	vst v2;
	v2 =	vor.u32 $0x2, v1;
	s5 =	sadd.s32 s5, s12;
	s6 =	sadd.s32 s6, s13  }
0xf: {  	v13 =	vor.u32 $0xB, v1;
	v14 =	vor.u32 $0xC, v1;
	s8 =	sadd.s32 s8, s12;
	[tilespmem:$0x1FFE0] =	vst v2;
	v2 =	vor.u32 $0x3, v1;
	s9 =	sadd.s32 s9, s13;
	s10 =	smax.u32 s11, $0x1  }
0x10: {  	v15 =	vor.u32 $0xD, v1;
	v16 =	vor.u32 $0xE, v1;
	v17 =	vor.u32 $0xF, v1;
	s11 =	simm.s32 $0x19000;
	s12 =	simm.s32 $0x5;
	s13 =	simm.s32 $0x19180;
	[tilespmem:$0x1FFF0] =	vst v2  }
.LBB2_1:
0x11: {  	s21 =	simm.s32 $0x4000;
	s22 =	sadd.s32 $0x0, s4;
	s23 =	simm.s32 $0x0  }
.LBB2_2:
0x12: {  	[tilespmem:s23], [sflag:$0x1] =	stream.linear.gather [hbm4b:s22+s3], $0x800, $0x38;
	[tilespmem:$0x19580] =	vst v63  }
0x13: {  	s23 =	smov.u32 s21;
	p0 =	sne.s32 s21, $0x60000  }
.Ltmp0:
0x14: {  	s21 =	sadd.s32 $0x4000, s21;
	(pc) =	sbr.rel @p0 .LBB2_2-.Ltmp0, $2  }
0x15: {  	_ =	sdelay $0x2  }
0x16: {  	s22 =	sadd.s32 s23, s4;
	s23 =	sshra.s32 s23, $0x2  }
0x17: {  	[tilespmem:s23], [sflag:$0x1] =	stream.linear.gather [hbm4b:s22+s3], $0x800, $0x38;
	[tilespmem:$0x19580] =	vst v63  }
0x18: {  	s21 =	simm.s32 $0x4000;
	s22 =	sadd.s32 $0x0, s5;
	s23 =	simm.s32 $0x800  }
.LBB2_4:
0x19: {  	[tilespmem:s23], [sflag:$0x2] =	stream.linear.gather [hbm4b:s22+s3], $0x800, $0x38;
	[tilespmem:$0x19580] =	vst v63  }
0x1a: {  	s22 =	smov.u32 s21;
	p0 =	sne.s32 s21, $0x60000  }
.Ltmp1:
0x1b: {  	s21 =	sadd.s32 $0x4000, s21;
	(pc) =	sbr.rel @p0 .LBB2_4-.Ltmp1, $3  }
0x1c: {  	_ =	sdelay $0x1  }
0x1d: {  	s23 =	sshra.s32 s22, $0x2  }
0x1e: {  	s22 =	sadd.s32 s22, s5;
	s23 =	sadd.s32 $0x800, s23  }
0x1f: {  	[tilespmem:s23], [sflag:$0x2] =	stream.linear.gather [hbm4b:s22+s3], $0x800, $0x38;
	v2 =	vimm.f32 $0.0e+00;
	[tilespmem:$0x19580] =	vst v63  }
0x20: {  	s21 =	simm.s32 $0x0;
	[tilespmem:$0x19000] =	vst v2  }
0x21: {  	[tilespmem:s11], [sflag:$0x5] =	stream.linear.gather [hbm4b:s1+s21], $0x8, $0x38;
	[tilespmem:$0x19580] =	vst v63  }
0x22: {  	_ =	swait.ge [sflag:s12], $0x8  }
0x23: {  	[sflag:s12] =	ssyncset.done $0x0  }
0x24: {  	[sflag:s12] =	ssyncadd.s32 $0xFFFFFFF8  }
0x25: {  	[tilespmem:s13], [sflag:$0x5] =	stream.linear.gather [hbm4b:s6+s21], $0x200, $0x38;
	[tilespmem:$0x19580] =	vst v63  }
0x26: {  	_ =	swait.ge [sflag:s12], $0x200  }
0x27: {  	[sflag:s12] =	ssyncset.done $0x0;
	v2 =	vld [tilespmem:$0x1FFD0]  }
0x28: {  	[sflag:s12] =	ssyncadd.s32 $0xFFFFFE00  }
0x29: {  	v18 =	vld [tilespmem:$0x19000];
	_ =	sdelay $0x4  }
0x2a: {  	[tilespmem:v1+s14+$0x0] =	vst.idx.msk $0xffff, v18  }
0x2b: {  	[tilespmem:v2+s14+$0x0] =	vst.idx.msk $0xffff, v18;
	v2 =	vld [tilespmem:$0x1FFE0];
	_ =	sdelay $0x7  }
0x2c: {  	[tilespmem:v2+s14+$0x0] =	vst.idx.msk $0xffff, v18;
	v2 =	vld [tilespmem:$0x1FFF0];
	_ =	sdelay $0x7  }
0x2d: {  	[tilespmem:v2+s14+$0x0] =	vst.idx.msk $0xffff, v18  }
0x2e: {  	[tilespmem:v6+s14+$0x0] =	vst.idx.msk $0xffff, v18  }
0x2f: {  	[tilespmem:v7+s14+$0x0] =	vst.idx.msk $0xffff, v18  }
0x30: {  	[tilespmem:v8+s14+$0x0] =	vst.idx.msk $0xffff, v18  }
0x31: {  	[tilespmem:v9+s14+$0x0] =	vst.idx.msk $0xffff, v18  }
0x32: {  	[tilespmem:v10+s14+$0x0] =	vst.idx.msk $0xffff, v18  }
0x33: {  	[tilespmem:v11+s14+$0x0] =	vst.idx.msk $0xffff, v18  }
0x34: {  	[tilespmem:v12+s14+$0x0] =	vst.idx.msk $0xffff, v18  }
0x35: {  	[tilespmem:v13+s14+$0x0] =	vst.idx.msk $0xffff, v18  }
0x36: {  	[tilespmem:v14+s14+$0x0] =	vst.idx.msk $0xffff, v18  }
0x37: {  	[tilespmem:v15+s14+$0x0] =	vst.idx.msk $0xffff, v18  }
0x38: {  	[tilespmem:v16+s14+$0x0] =	vst.idx.msk $0xffff, v18  }
0x39: {  	[tilespmem:v17+s14+$0x0] =	vst.idx.msk $0xffff, v18  }
0x3a: {  	_ =	swait.ge [sflag:s15], $0xC800  }
0x3b: {  	s22 =	simm.s32 $0x4000;
	[sflag:s15] =	ssyncset.done $0x0  }
0x3c: {  	s23 =	simm.s32 $0x0;
	s24 =	sadd.s32 $0x0, s7;
	[sflag:s15] =	ssyncadd.s32 $0xFFFF3800  }
.LBB2_6:
0x3d: {  	[hbm4b:s24+s21] =	stream.linear.scatter [tilespmem:s23], [sflag:$0x3], $0x800, $0x38;
	[tilespmem:$0x19580] =	vst v63  }
0x3e: {  	s24 =	smov.u32 s22;
	p0 =	sne.s32 s22, $0x60000  }
.Ltmp2:
0x3f: {  	s22 =	sadd.s32 $0x4000, s22;
	(pc) =	sbr.rel @p0 .LBB2_6-.Ltmp2, $2  }
0x40: {  	_ =	sdelay $0x2  }
0x41: {  	s23 =	sshra.s32 s24, $0x2;
	s24 =	sadd.s32 s24, s7  }
0x42: {  	[hbm4b:s24+s21] =	stream.linear.scatter [tilespmem:s23], [sflag:$0x3], $0x800, $0x38;
	[tilespmem:$0x19580] =	vst v63  }
0x43: {  	s22 =	simm.s32 $0x0;
	s23 =	simm.s32 $0x0  }
.LBB2_8:
0x44: {  	s24 =	sshll.u32 s22, $0x2;
	s25 =	sand.u32 $0x7, s21  }
0x45: {  	s24 =	sand.u32 $0xFFFFF000, s24;
	s25 =	sshll.u32 s25, $0x6  }
0x46: {  	s24 =	sor.u32 s25, s24  }
0x47: {  	s24 =	sshrl.u32 s24, $0x2  }
0x48: {  	v18 =	vmov s24;
	_ =	sdelay $0x3  }
0x49: {  	s31 =	simm.s32 $0x0  }
0x4a: {  	v19 =	vld.idx.msk [tilespmem:v18+s31+$0x4200 ss:$0x1], $0xffff  }
0x4b: {  	v20 =	vld.idx.msk [tilespmem:v18+s31+$0x4280 ss:$0x1], $0xffff  }
0x4c: {  	v32 =	vld.idx.msk [tilespmem:v18+s31+$0x4300 ss:$0x1], $0xffff  }
0x4d: {  	v27 =	vld.idx.msk [tilespmem:v18+s31+$0x4380 ss:$0x1], $0xffff  }
0x4e: {  	v21 =	vld.idx.msk [tilespmem:v18+s31+$0x4000 ss:$0x1], $0xffff  }
0x4f: {  	v22 =	vld.idx.msk [tilespmem:v18+s31+$0x4080 ss:$0x1], $0xffff  }
0x50: {  	v33 =	vld.idx.msk [tilespmem:v18+s31+$0x4100 ss:$0x1], $0xffff  }
0x51: {  	v28 =	vld.idx.msk [tilespmem:v18+s31+$0x4180 ss:$0x1], $0xffff  }
0x52: {  	v26 =	vld.idx.msk [tilespmem:v18+s31+$0x3200 ss:$0x1], $0xffff  }
0x53: {  	v30 =	vld.idx.msk [tilespmem:v18+s31+$0x3280 ss:$0x1], $0xffff  }
0x54: {  	v29 =	vld.idx.msk [tilespmem:v18+s31+$0x3300 ss:$0x1], $0xffff  }
0x55: {  	v24 =	vld.idx.msk [tilespmem:v18+s31+$0x3380 ss:$0x1], $0xffff  }
0x56: {  	v34 =	vld.idx.msk [tilespmem:v18+s31+$0x3000 ss:$0x1], $0xffff  }
0x57: {  	v36 =	vld.idx.msk [tilespmem:v18+s31+$0x3080 ss:$0x1], $0xffff  }
0x58: {  	v25 =	vld.idx.msk [tilespmem:v18+s31+$0x3100 ss:$0x1], $0xffff  }
0x59: {  	v23 =	vld.idx.msk [tilespmem:v18+s31+$0x3180 ss:$0x1], $0xffff  }
0x5a: {  	v37 =	vld.idx.msk [tilespmem:v18+s31+$0x2200 ss:$0x1], $0xffff  }
0x5b: {  	v38 =	vld.idx.msk [tilespmem:v18+s31+$0x2280 ss:$0x1], $0xffff  }
0x5c: {  	v35 =	vld.idx.msk [tilespmem:v18+s31+$0x2300 ss:$0x1], $0xffff  }
0x5d: {  	v31 =	vld.idx.msk [tilespmem:v18+s31+$0x2380 ss:$0x1], $0xffff  }
0x5e: {  	v39 =	vld.idx.msk [tilespmem:v18+s31+$0x2000 ss:$0x1], $0xffff  }
0x5f: {  	v40 =	vld.idx.msk [tilespmem:v18+s31+$0x2080 ss:$0x1], $0xffff  }
0x60: {  	v42 =	vld.idx.msk [tilespmem:v18+s31+$0x2100 ss:$0x1], $0xffff  }
0x61: {  	v41 =	vld.idx.msk [tilespmem:v18+s31+$0x2180 ss:$0x1], $0xffff  }
0x62: {  	v43 =	vld.idx.msk [tilespmem:v18+s31+$0x1200 ss:$0x1], $0xffff  }
0x63: {  	v58 =	vld.idx.msk [tilespmem:v18+s31+$0x1280 ss:$0x1], $0xffff  }
0x64: {  	v45 =	vld.idx.msk [tilespmem:v18+s31+$0x1300 ss:$0x1], $0xffff  }
0x65: {  	v44 =	vld.idx.msk [tilespmem:v18+s31+$0x1380 ss:$0x1], $0xffff  }
0x66: {  	v60 =	vld.idx.msk [tilespmem:v18+s31+$0x1000 ss:$0x1], $0xffff  }
0x67: {  	v51 =	vld.idx.msk [tilespmem:v18+s31+$0x1080 ss:$0x1], $0xffff  }
0x68: {  	v47 =	vld.idx.msk [tilespmem:v18+s31+$0x1100 ss:$0x1], $0xffff  }
0x69: {  	v46 =	vld.idx.msk [tilespmem:v18+s31+$0x1180 ss:$0x1], $0xffff  }
0x6a: {  	v52 =	vld.idx.msk [tilespmem:v18+s31+$0x200 ss:$0x1], $0xffff  }
0x6b: {  	v50 =	vld.idx.msk [tilespmem:v18+s31+$0x280 ss:$0x1], $0xffff  }
0x6c: {  	v48 =	vld.idx.msk [tilespmem:v18+s31+$0x300 ss:$0x1], $0xffff;
	v19 =	vshll.u32 v19, $0x4  }
0x6d: {  	v49 =	vld.idx.msk [tilespmem:v18+s31+$0x380 ss:$0x1], $0xffff;
	v20 =	vshll.u32 v20, $0x4;
	v19 =	vor.u32 v0, v19  }
0x6e: {  	v56 =	vld.idx.msk [tilespmem:v18+s31+$0x0 ss:$0x1], $0xffff;
	v21 =	vshll.u32 v21, $0x4;
	v20 =	vor.u32 v0, v20  }
0x6f: {  	v53 =	vld.idx.msk [tilespmem:v18+s31+$0x80 ss:$0x1], $0xffff;
	v22 =	vshll.u32 v22, $0x4;
	v21 =	vor.u32 v0, v21  }
0x70: {  	v54 =	vld.idx.msk [tilespmem:v18+s31+$0x100 ss:$0x1], $0xffff;
	v26 =	vshll.u32 v26, $0x4;
	v22 =	vor.u32 v0, v22  }
0x71: {  	v55 =	vld.idx.msk [tilespmem:v18+s31+$0x180 ss:$0x1], $0xffff;
	v30 =	vshll.u32 v30, $0x4;
	v26 =	vor.u32 v0, v26  }
0x72: {  	v34 =	vshll.u32 v34, $0x4;
	v30 =	vor.u32 v0, v30;
	v19 =	vld.idx.msk [tilespmem:v19+s14+$0x0], $0xffff  }
0x73: {  	v63 =	vshll.u32 v36, $0x4;
	v62 =	vor.u32 v0, v34;
	v20 =	vld.idx.msk [tilespmem:v20+s14+$0x0], $0xffff  }
0x74: {  	v57 =	vshll.u32 v37, $0x4;
	v37 =	vor.u32 v0, v63;
	v21 =	vld.idx.msk [tilespmem:v21+s14+$0x0], $0xffff  }
0x75: {  	v38 =	vshll.u32 v38, $0x4;
	v36 =	vor.u32 v0, v57;
	v22 =	vld.idx.msk [tilespmem:v22+s14+$0x0], $0xffff  }
0x76: {  	v39 =	vshll.u32 v39, $0x4;
	v61 =	vor.u32 v0, v38;
	v26 =	vld.idx.msk [tilespmem:v26+s14+$0x0], $0xffff  }
0x77: {  	v59 =	vshll.u32 v40, $0x4;
	v34 =	vimm.f32 $0.0e+00;
	v57 =	vor.u32 v0, v39;
	v30 =	vld.idx.msk [tilespmem:v30+s14+$0x0], $0xffff  }
0x78: {  	v63 =	vshll.u32 v43, $0x4;
	v59 =	vor.u32 v0, v59;
	v38 =	vshll.u32 v58, $0x4;
	v39 =	vld.idx.msk [tilespmem:v62+s14+$0x0], $0xffff  }
0x79: {  	v58 =	vor.u32 v0, v63;
	v40 =	vld.idx.msk [tilespmem:v37+s14+$0x0], $0xffff;
	v62 =	vshll.u32 v60, $0x4;
	v60 =	vor.u32 v0, v38  }
0x7a: {  	s25 =	simm.s32 $0x14000;
	s24 =	sshll.u32 s23, $0x4;
	v43 =	vld.idx.msk [tilespmem:v36+s14+$0x0], $0xffff;
	v38 =	vimm.f32 $0.0e+00;
	v36 =	vimm.f32 $0.0e+00;
	v37 =	vimm.f32 $0.0e+00  }
.LBB2_9:
0x7b: {  	p0 =	sne.s32 s25, $0x50000;
	v62 =	vor.u32 v0, v62;
	v51 =	vshll.u32 v51, $0x4;
	v61 =	vld.idx.msk [tilespmem:v61+s14+$0x0], $0xffff  }
0x7c: {  	v52 =	vshll.u32 v52, $0x4;
	v51 =	vor.u32 v0, v51;
	v57 =	vld.idx.msk [tilespmem:v57+s14+$0x0], $0xffff  }
0x7d: {  	v50 =	vshll.u32 v50, $0x4;
	v52 =	vor.u32 v0, v52;
	v59 =	vld.idx.msk [tilespmem:v59+s14+$0x0], $0xffff  }
0x7e: {  	v56 =	vshll.u32 v56, $0x4;
	v50 =	vor.u32 v0, v50;
	v58 =	vld.idx.msk [tilespmem:v58+s14+$0x0], $0xffff  }
0x7f: {  	v53 =	vshll.u32 v53, $0x4;
	v56 =	vor.u32 v0, v56;
	v60 =	vld.idx.msk [tilespmem:v60+s14+$0x0], $0xffff  }
0x80: {  	v54 =	vshll.u32 v54, $0x4;
	v53 =	vor.u32 v0, v53;
	v62 =	vld.idx.msk [tilespmem:v62+s14+$0x0], $0xffff  }
0x81: {  	v55 =	vshll.u32 v55, $0x4;
	v54 =	vor.u32 v0, v54;
	v51 =	vld.idx.msk [tilespmem:v51+s14+$0x0], $0xffff  }
0x82: {  	v48 =	vshll.u32 v48, $0x4;
	v55 =	vor.u32 v0, v55;
	v52 =	vld.idx.msk [tilespmem:v52+s14+$0x0], $0xffff  }
0x83: {  	v49 =	vshll.u32 v49, $0x4;
	v48 =	vor.u32 v0, v48;
	v50 =	vld.idx.msk [tilespmem:v50+s14+$0x0], $0xffff  }
0x84: {  	v47 =	vshll.u32 v47, $0x4;
	v32 =	vshll.u32 v32, $0x4;
	v49 =	vor.u32 v0, v49;
	v56 =	vld.idx.msk [tilespmem:v56+s14+$0x0], $0xffff  }
0x85: {  	v46 =	vshll.u32 v46, $0x4;
	v27 =	vshll.u32 v27, $0x4;
	v47 =	vor.u32 v0, v47;
	v53 =	vld.idx.msk [tilespmem:v53+s14+$0x0], $0xffff  }
0x86: {  	v45 =	vshll.u32 v45, $0x4;
	v33 =	vshll.u32 v33, $0x4;
	v46 =	vor.u32 v0, v46;
	v54 =	vld.idx.msk [tilespmem:v54+s14+$0x0], $0xffff  }
0x87: {  	v44 =	vshll.u32 v44, $0x4;
	v28 =	vshll.u32 v28, $0x4;
	v45 =	vor.u32 v0, v45;
	v55 =	vld.idx.msk [tilespmem:v55+s14+$0x0], $0xffff  }
0x88: {  	v42 =	vshll.u32 v42, $0x4;
	v29 =	vshll.u32 v29, $0x4;
	v44 =	vor.u32 v0, v44;
	v48 =	vld.idx.msk [tilespmem:v48+s14+$0x0], $0xffff  }
0x89: {  	v41 =	vshll.u32 v41, $0x4;
	v24 =	vshll.u32 v24, $0x4;
	v42 =	vor.u32 v0, v42;
	v49 =	vld.idx.msk [tilespmem:v49+s14+$0x0], $0xffff  }
0x8a: {  	v35 =	vshll.u32 v35, $0x4;
	v25 =	vshll.u32 v25, $0x4;
	v41 =	vor.u32 v0, v41;
	v47 =	vld.idx.msk [tilespmem:v47+s14+$0x0], $0xffff  }
0x8b: {  	v31 =	vshll.u32 v31, $0x4;
	v23 =	vshll.u32 v23, $0x4;
	v35 =	vor.u32 v0, v35;
	v46 =	vld.idx.msk [tilespmem:v46+s14+$0x0], $0xffff  }
0x8c: {  	v31 =	vor.u32 v0, v31;
	v34 =	vadd.f32 v56, v34;
	v38 =	vadd.f32 v53, v38;
	v45 =	vld.idx.msk [tilespmem:v45+s14+$0x0], $0xffff  }
0x8d: {  	v25 =	vor.u32 v0, v25;
	v36 =	vadd.f32 v54, v36;
	v37 =	vadd.f32 v55, v37;
	v44 =	vld.idx.msk [tilespmem:v44+s14+$0x0], $0xffff  }
0x8e: {  	v23 =	vor.u32 v0, v23;
	v34 =	vadd.f32 v52, v34;
	v38 =	vadd.f32 v50, v38;
	v42 =	vld.idx.msk [tilespmem:v42+s14+$0x0], $0xffff  }
0x8f: {  	v29 =	vor.u32 v0, v29;
	v36 =	vadd.f32 v48, v36;
	v37 =	vadd.f32 v49, v37;
	v41 =	vld.idx.msk [tilespmem:v41+s14+$0x0], $0xffff  }
0x90: {  	v24 =	vor.u32 v0, v24;
	v34 =	vadd.f32 v62, v34;
	v38 =	vadd.f32 v51, v38;
	v35 =	vld.idx.msk [tilespmem:v35+s14+$0x0], $0xffff  }
0x91: {  	v33 =	vor.u32 v0, v33;
	v36 =	vadd.f32 v47, v36;
	v37 =	vadd.f32 v46, v37;
	v31 =	vld.idx.msk [tilespmem:v31+s14+$0x0], $0xffff  }
0x92: {  	v28 =	vor.u32 v0, v28;
	v34 =	vadd.f32 v58, v34;
	v38 =	vadd.f32 v60, v38;
	v25 =	vld.idx.msk [tilespmem:v25+s14+$0x0], $0xffff  }
0x93: {  	v32 =	vor.u32 v0, v32;
	v36 =	vadd.f32 v45, v36;
	v37 =	vadd.f32 v44, v37;
	v23 =	vld.idx.msk [tilespmem:v23+s14+$0x0], $0xffff  }
0x94: {  	v27 =	vor.u32 v0, v27;
	v34 =	vadd.f32 v57, v34;
	v38 =	vadd.f32 v59, v38;
	v29 =	vld.idx.msk [tilespmem:v29+s14+$0x0], $0xffff  }
0x95: {  	v36 =	vadd.f32 v42, v36;
	v37 =	vadd.f32 v41, v37;
	v24 =	vld.idx.msk [tilespmem:v24+s14+$0x0], $0xffff  }
0x96: {  	v34 =	vadd.f32 v43, v34;
	v38 =	vadd.f32 v61, v38;
	v33 =	vld.idx.msk [tilespmem:v33+s14+$0x0], $0xffff  }
0x97: {  	v35 =	vadd.f32 v35, v36;
	v31 =	vadd.f32 v31, v37;
	v28 =	vld.idx.msk [tilespmem:v28+s14+$0x0], $0xffff  }
0x98: {  	v34 =	vadd.f32 v39, v34;
	v36 =	vadd.f32 v40, v38;
	v37 =	vld.idx.msk [tilespmem:v32+s14+$0x0], $0xffff  }
0x99: {  	s26 =	sshra.s32 s25, $0x2;
	v25 =	vadd.f32 v25, v35;
	v23 =	vadd.f32 v23, v31;
	v31 =	vld.idx.msk [tilespmem:v27+s14+$0x0], $0xffff  }
0x9a: {  	v26 =	vadd.f32 v26, v34;
	v27 =	vadd.f32 v30, v36;
	v39 =	vld.idx.msk [tilespmem:v18+s26+$0x4200 ss:$0x1], $0xffff  }
0x9b: {  	v25 =	vadd.f32 v29, v25;
	v23 =	vadd.f32 v24, v23;
	v30 =	vld.idx.msk [tilespmem:v18+s26+$0x4280 ss:$0x1], $0xffff  }
0x9c: {  	v21 =	vadd.f32 v21, v26;
	v22 =	vadd.f32 v22, v27;
	v32 =	vld.idx.msk [tilespmem:v18+s26+$0x4300 ss:$0x1], $0xffff  }
0x9d: {  	v24 =	vadd.f32 v33, v25;
	v23 =	vadd.f32 v28, v23;
	v27 =	vld.idx.msk [tilespmem:v18+s26+$0x4380 ss:$0x1], $0xffff  }
0x9e: {  	v34 =	vadd.f32 v19, v21;
	v38 =	vadd.f32 v20, v22;
	v26 =	vld.idx.msk [tilespmem:v18+s26+$0x4000 ss:$0x1], $0xffff  }
0x9f: {  	v36 =	vadd.f32 v37, v24;
	v37 =	vadd.f32 v31, v23;
	v19 =	vld.idx.msk [tilespmem:v18+s26+$0x4080 ss:$0x1], $0xffff  }
0xa0: {  	v33 =	vld.idx.msk [tilespmem:v18+s26+$0x4100 ss:$0x1], $0xffff  }
0xa1: {  	v28 =	vld.idx.msk [tilespmem:v18+s26+$0x4180 ss:$0x1], $0xffff  }
0xa2: {  	v20 =	vld.idx.msk [tilespmem:v18+s26+$0x3200 ss:$0x1], $0xffff  }
0xa3: {  	v21 =	vld.idx.msk [tilespmem:v18+s26+$0x3280 ss:$0x1], $0xffff  }
0xa4: {  	v29 =	vld.idx.msk [tilespmem:v18+s26+$0x3300 ss:$0x1], $0xffff  }
0xa5: {  	v24 =	vld.idx.msk [tilespmem:v18+s26+$0x3380 ss:$0x1], $0xffff  }
0xa6: {  	v22 =	vld.idx.msk [tilespmem:v18+s26+$0x3000 ss:$0x1], $0xffff  }
0xa7: {  	v40 =	vld.idx.msk [tilespmem:v18+s26+$0x3080 ss:$0x1], $0xffff  }
0xa8: {  	v25 =	vld.idx.msk [tilespmem:v18+s26+$0x3100 ss:$0x1], $0xffff  }
0xa9: {  	v23 =	vld.idx.msk [tilespmem:v18+s26+$0x3180 ss:$0x1], $0xffff  }
0xaa: {  	v43 =	vld.idx.msk [tilespmem:v18+s26+$0x2200 ss:$0x1], $0xffff  }
0xab: {  	v57 =	vld.idx.msk [tilespmem:v18+s26+$0x2280 ss:$0x1], $0xffff  }
0xac: {  	v35 =	vld.idx.msk [tilespmem:v18+s26+$0x2300 ss:$0x1], $0xffff  }
0xad: {  	v31 =	vld.idx.msk [tilespmem:v18+s26+$0x2380 ss:$0x1], $0xffff  }
0xae: {  	v58 =	vld.idx.msk [tilespmem:v18+s26+$0x2000 ss:$0x1], $0xffff  }
0xaf: {  	v59 =	vld.idx.msk [tilespmem:v18+s26+$0x2080 ss:$0x1], $0xffff  }
0xb0: {  	v42 =	vld.idx.msk [tilespmem:v18+s26+$0x2100 ss:$0x1], $0xffff  }
0xb1: {  	v41 =	vld.idx.msk [tilespmem:v18+s26+$0x2180 ss:$0x1], $0xffff  }
0xb2: {  	v60 =	vld.idx.msk [tilespmem:v18+s26+$0x1200 ss:$0x1], $0xffff  }
0xb3: {  	v62 =	vld.idx.msk [tilespmem:v18+s26+$0x1280 ss:$0x1], $0xffff  }
0xb4: {  	v45 =	vld.idx.msk [tilespmem:v18+s26+$0x1300 ss:$0x1], $0xffff  }
0xb5: {  	v44 =	vld.idx.msk [tilespmem:v18+s26+$0x1380 ss:$0x1], $0xffff  }
0xb6: {  	v63 =	vld.idx.msk [tilespmem:v18+s26+$0x1000 ss:$0x1], $0xffff  }
0xb7: {  	v51 =	vld.idx.msk [tilespmem:v18+s26+$0x1080 ss:$0x1], $0xffff  }
0xb8: {  	v47 =	vld.idx.msk [tilespmem:v18+s26+$0x1100 ss:$0x1], $0xffff  }
0xb9: {  	v46 =	vld.idx.msk [tilespmem:v18+s26+$0x1180 ss:$0x1], $0xffff  }
0xba: {  	v52 =	vld.idx.msk [tilespmem:v18+s26+$0x200 ss:$0x1], $0xffff  }
0xbb: {  	v50 =	vld.idx.msk [tilespmem:v18+s26+$0x280 ss:$0x1], $0xffff  }
0xbc: {  	v39 =	vshll.u32 v39, $0x4;
	v48 =	vld.idx.msk [tilespmem:v18+s26+$0x300 ss:$0x1], $0xffff  }
0xbd: {  	v39 =	vor.u32 v0, v39;
	v30 =	vshll.u32 v30, $0x4;
	v49 =	vld.idx.msk [tilespmem:v18+s26+$0x380 ss:$0x1], $0xffff  }
0xbe: {  	v30 =	vor.u32 v0, v30;
	v26 =	vshll.u32 v26, $0x4;
	v56 =	vld.idx.msk [tilespmem:v18+s26+$0x0 ss:$0x1], $0xffff  }
0xbf: {  	v26 =	vor.u32 v0, v26;
	v19 =	vshll.u32 v19, $0x4;
	v53 =	vld.idx.msk [tilespmem:v18+s26+$0x80 ss:$0x1], $0xffff  }
0xc0: {  	v61 =	vor.u32 v0, v19;
	v20 =	vshll.u32 v20, $0x4;
	v54 =	vld.idx.msk [tilespmem:v18+s26+$0x100 ss:$0x1], $0xffff  }
0xc1: {  	v2 =	vor.u32 v0, v20;
	v19 =	vshll.u32 v21, $0x4;
	v55 =	vld.idx.msk [tilespmem:v18+s26+$0x180 ss:$0x1], $0xffff  }
0xc2: {  	v3 =	vor.u32 v0, v19;
	v20 =	vshll.u32 v22, $0x4;
	v19 =	vld.idx.msk [tilespmem:v39+s14+$0x0], $0xffff  }
0xc3: {  	v21 =	vshll.u32 v40, $0x4;
	v39 =	vor.u32 v0, v20;
	v20 =	vld.idx.msk [tilespmem:v30+s14+$0x0], $0xffff  }
0xc4: {  	v40 =	vor.u32 v0, v21;
	v22 =	vshll.u32 v43, $0x4;
	v21 =	vld.idx.msk [tilespmem:v26+s14+$0x0], $0xffff  }
0xc5: {  	v43 =	vor.u32 v0, v22;
	v26 =	vshll.u32 v57, $0x4;
	v22 =	vld.idx.msk [tilespmem:v61+s14+$0x0], $0xffff  }
.Ltmp3:
0xc6: {  	v30 =	vshll.u32 v58, $0x4;
	v61 =	vor.u32 v0, v26;
	v26 =	vld.idx.msk [tilespmem:v2+s14+$0x0], $0xffff;
	(pc) =	sbr.rel @p0 .LBB2_9-.Ltmp3, $4  }
0xc7: {  	v57 =	vor.u32 v0, v30;
	v2 =	vshll.u32 v59, $0x4;
	v30 =	vld.idx.msk [tilespmem:v3+s14+$0x0], $0xffff  }
0xc8: {  	v3 =	vshll.u32 v60, $0x4;
	v59 =	vor.u32 v0, v2;
	v39 =	vld.idx.msk [tilespmem:v39+s14+$0x0], $0xffff  }
0xc9: {  	v2 =	vshll.u32 v62, $0x4;
	v58 =	vor.u32 v0, v3;
	v40 =	vld.idx.msk [tilespmem:v40+s14+$0x0], $0xffff  }
0xca: {  	s25 =	sadd.s32 $0x14000, s25;
	v62 =	vshll.u32 v63, $0x4;
	v60 =	vor.u32 v0, v2;
	v43 =	vld.idx.msk [tilespmem:v43+s14+$0x0], $0xffff  }
0xcb: {  	_ =	sdelay $0x3  }
0xcc: {  	v2 =	vor.u32 v0, v62;
	v3 =	vshll.u32 v51, $0x4;
	v18 =	vld.idx.msk [tilespmem:v61+s14+$0x0], $0xffff  }
0xcd: {  	v63 =	vshll.u32 v52, $0x4;
	v61 =	vld.idx.msk [tilespmem:v57+s14+$0x0], $0xffff;
	v3 =	vor.u32 v0, v3  }
0xce: {  	v50 =	vshll.u32 v50, $0x4;
	v62 =	vld.idx.msk [tilespmem:v59+s14+$0x0], $0xffff;
	v51 =	vor.u32 v0, v63  }
0xcf: {  	v56 =	vshll.u32 v56, $0x4;
	v58 =	vld.idx.msk [tilespmem:v58+s14+$0x0], $0xffff;
	v50 =	vor.u32 v0, v50  }
0xd0: {  	v53 =	vshll.u32 v53, $0x4;
	v56 =	vor.u32 v0, v56;
	v63 =	vld.idx.msk [tilespmem:v60+s14+$0x0], $0xffff  }
0xd1: {  	v54 =	vshll.u32 v54, $0x4;
	v53 =	vor.u32 v0, v53;
	v2 =	vld.idx.msk [tilespmem:v2+s14+$0x0], $0xffff  }
0xd2: {  	v55 =	vshll.u32 v55, $0x4;
	v54 =	vor.u32 v0, v54;
	v3 =	vld.idx.msk [tilespmem:v3+s14+$0x0], $0xffff  }
0xd3: {  	v48 =	vshll.u32 v48, $0x4;
	v49 =	vshll.u32 v49, $0x4;
	v55 =	vor.u32 v0, v55;
	v51 =	vld.idx.msk [tilespmem:v51+s14+$0x0], $0xffff  }
0xd4: {  	v47 =	vshll.u32 v47, $0x4;
	v32 =	vshll.u32 v32, $0x4;
	v48 =	vor.u32 v0, v48;
	v50 =	vld.idx.msk [tilespmem:v50+s14+$0x0], $0xffff  }
0xd5: {  	v46 =	vshll.u32 v46, $0x4;
	v27 =	vshll.u32 v27, $0x4;
	v49 =	vor.u32 v0, v49;
	v56 =	vld.idx.msk [tilespmem:v56+s14+$0x0], $0xffff  }
0xd6: {  	v45 =	vshll.u32 v45, $0x4;
	v33 =	vshll.u32 v33, $0x4;
	v47 =	vor.u32 v0, v47;
	v53 =	vld.idx.msk [tilespmem:v53+s14+$0x0], $0xffff  }
0xd7: {  	v44 =	vshll.u32 v44, $0x4;
	v28 =	vshll.u32 v28, $0x4;
	v46 =	vor.u32 v0, v46;
	v54 =	vld.idx.msk [tilespmem:v54+s14+$0x0], $0xffff  }
0xd8: {  	v42 =	vshll.u32 v42, $0x4;
	v29 =	vshll.u32 v29, $0x4;
	v45 =	vor.u32 v0, v45;
	v55 =	vld.idx.msk [tilespmem:v55+s14+$0x0], $0xffff  }
0xd9: {  	v41 =	vshll.u32 v41, $0x4;
	v24 =	vshll.u32 v24, $0x4;
	v44 =	vor.u32 v0, v44;
	v48 =	vld.idx.msk [tilespmem:v48+s14+$0x0], $0xffff  }
0xda: {  	v35 =	vshll.u32 v35, $0x4;
	v25 =	vshll.u32 v25, $0x4;
	v42 =	vor.u32 v0, v42;
	v49 =	vld.idx.msk [tilespmem:v49+s14+$0x0], $0xffff  }
0xdb: {  	v31 =	vshll.u32 v31, $0x4;
	v23 =	vshll.u32 v23, $0x4;
	v41 =	vor.u32 v0, v41;
	v47 =	vld.idx.msk [tilespmem:v47+s14+$0x0], $0xffff  }
0xdc: {  	v31 =	vor.u32 v0, v31;
	v46 =	vld.idx.msk [tilespmem:v46+s14+$0x0], $0xffff;
	v34 =	vadd.f32 v56, v34;
	v38 =	vadd.f32 v53, v38  }
0xdd: {  	v35 =	vor.u32 v0, v35;
	v45 =	vld.idx.msk [tilespmem:v45+s14+$0x0], $0xffff;
	v36 =	vadd.f32 v54, v36;
	v37 =	vadd.f32 v55, v37  }
0xde: {  	v25 =	vor.u32 v0, v25;
	v44 =	vld.idx.msk [tilespmem:v44+s14+$0x0], $0xffff;
	v34 =	vadd.f32 v51, v34;
	v38 =	vadd.f32 v50, v38  }
0xdf: {  	v23 =	vor.u32 v0, v23;
	v42 =	vld.idx.msk [tilespmem:v42+s14+$0x0], $0xffff;
	v36 =	vadd.f32 v48, v36;
	v37 =	vadd.f32 v49, v37  }
0xe0: {  	v29 =	vor.u32 v0, v29;
	v41 =	vld.idx.msk [tilespmem:v41+s14+$0x0], $0xffff;
	v2 =	vadd.f32 v2, v34;
	v3 =	vadd.f32 v3, v38  }
0xe1: {  	v24 =	vor.u32 v0, v24;
	v31 =	vld.idx.msk [tilespmem:v31+s14+$0x0], $0xffff;
	v56 =	vadd.f32 v47, v36;
	v60 =	vadd.f32 v46, v37  }
0xe2: {  	v28 =	vor.u32 v0, v28;
	v55 =	vld.idx.msk [tilespmem:v35+s14+$0x0], $0xffff;
	v2 =	vadd.f32 v58, v2;
	v3 =	vadd.f32 v63, v3  }
0xe3: {  	v33 =	vor.u32 v0, v33;
	v25 =	vld.idx.msk [tilespmem:v25+s14+$0x0], $0xffff;
	v35 =	vadd.f32 v45, v56;
	v36 =	vadd.f32 v44, v60  }
0xe4: {  	v32 =	vor.u32 v0, v32;
	v23 =	vld.idx.msk [tilespmem:v23+s14+$0x0], $0xffff;
	v2 =	vadd.f32 v61, v2;
	v3 =	vadd.f32 v62, v3  }
0xe5: {  	v27 =	vor.u32 v0, v27;
	v29 =	vld.idx.msk [tilespmem:v29+s14+$0x0], $0xffff;
	v35 =	vadd.f32 v42, v35;
	v36 =	vadd.f32 v41, v36  }
0xe6: {  	v24 =	vld.idx.msk [tilespmem:v24+s14+$0x0], $0xffff;
	v2 =	vadd.f32 v43, v2;
	v3 =	vadd.f32 v18, v3  }
0xe7: {  	v28 =	vld.idx.msk [tilespmem:v28+s14+$0x0], $0xffff;
	v61 =	vadd.f32 v55, v35;
	v31 =	vadd.f32 v31, v36  }
0xe8: {  	v18 =	vld.idx.msk [tilespmem:v33+s14+$0x0], $0xffff;
	v2 =	vadd.f32 v39, v2;
	v3 =	vadd.f32 v40, v3  }
0xe9: {  	v32 =	vld.idx.msk [tilespmem:v32+s14+$0x0], $0xffff;
	v25 =	vadd.f32 v25, v61;
	v23 =	vadd.f32 v23, v31  }
0xea: {  	v27 =	vld.idx.msk [tilespmem:v27+s14+$0x0], $0xffff;
	v2 =	vadd.f32 v26, v2;
	v3 =	vadd.f32 v30, v3  }
0xeb: {  	v25 =	vadd.f32 v29, v25;
	v23 =	vadd.f32 v24, v23  }
0xec: {  	v2 =	vadd.f32 v21, v2;
	v3 =	vadd.f32 v22, v3  }
0xed: {  	v18 =	vadd.f32 v18, v25;
	v62 =	vadd.f32 v28, v23  }
0xee: {  	v2 =	vadd.f32 v19, v2;
	v3 =	vadd.f32 v20, v3  }
0xef: {  	v18 =	vadd.f32 v32, v18;
	v19 =	vadd.f32 v27, v62  }
0xf0: {  	v63 =	vld [tilespmem:s24+$0x19180]  }
0xf1: {  	s23 =	sadd.s32 $0x1, s23;
	v2 =	vadd.f32 v3, v2;
	v3 =	vadd.f32 v19, v18  }
0xf2: {  	p0 =	sne.s32 s23, $0x10  }
.Ltmp4:
0xf3: {  	v2 =	vadd.f32 v3, v2;
	(pc) =	sbr.rel @p0 .LBB2_8-.Ltmp4, $3  }
0xf4: {  	_ = 	snop  }
0xf5: {  	v2 =	vadd.f32 v63, v2;
	_ =	sdelay $0x1  }
0xf6: {  	s22 =	sadd.s32 $0x80, s22;
	s21 =	sadd.s32 $0x1, s21;
	[tilespmem:s24+$0x19380] =	vst v2  }
0xf7: {  	_ =	swait.ge [sflag:s16], $0xC800  }
0xf8: {  	[sflag:s16] =	ssyncset.done $0x0  }
0xf9: {  	s21 =	simm.s32 $0x0;
	s22 =	simm.s32 $0x0;
	[sflag:s16] =	ssyncadd.s32 $0xFFFF3800  }
.LBB2_12:
0xfa: {  	p0 =	sne.s32 s22, $0x60000  }
.Ltmp5:
0xfb: {  	_ = 	snop;
	(pc) =	sbr.rel @p0 .LBB2_12-.Ltmp5, $4  }
0xfc: {  	_ = 	snop  }
0xfd: {  	s23 =	sshra.s32 s22, $0x2  }
0xfe: {  	s24 =	sadd.s32 s22, s8;
	s22 =	sadd.s32 $0x4000, s22;
	s23 =	sadd.s32 $0x800, s23  }
0xff: {  	[hbm4b:s24+s21] =	stream.linear.scatter [tilespmem:s23], [sflag:$0x4], $0x800, $0x38;
	[tilespmem:$0x19580] =	vst v63  }
0x100: {  	s22 =	simm.s32 $0x10;
	s23 =	simm.s32 $0x800  }
.LBB2_14:
0x101: {  	s24 =	sshll.u32 s23, $0x2;
	s25 =	sand.u32 $0x7, s21  }
0x102: {  	s24 =	sand.u32 $0xFFFFF000, s24;
	s25 =	sshll.u32 s25, $0x6  }
0x103: {  	s24 =	sor.u32 s25, s24  }
0x104: {  	s24 =	sshrl.u32 s24, $0x2  }
0x105: {  	v18 =	vmov s24;
	_ =	sdelay $0x3  }
0x106: {  	s31 =	simm.s32 $0x0  }
0x107: {  	v2 =	vld.idx.msk [tilespmem:v18+s31+$0x4200 ss:$0x1], $0xffff  }
0x108: {  	v3 =	vld.idx.msk [tilespmem:v18+s31+$0x4280 ss:$0x1], $0xffff  }
0x109: {  	v32 =	vld.idx.msk [tilespmem:v18+s31+$0x4300 ss:$0x1], $0xffff  }
0x10a: {  	v27 =	vld.idx.msk [tilespmem:v18+s31+$0x4380 ss:$0x1], $0xffff  }
0x10b: {  	v19 =	vld.idx.msk [tilespmem:v18+s31+$0x4000 ss:$0x1], $0xffff  }
0x10c: {  	v20 =	vld.idx.msk [tilespmem:v18+s31+$0x4080 ss:$0x1], $0xffff  }
0x10d: {  	v33 =	vld.idx.msk [tilespmem:v18+s31+$0x4100 ss:$0x1], $0xffff  }
0x10e: {  	v28 =	vld.idx.msk [tilespmem:v18+s31+$0x4180 ss:$0x1], $0xffff  }
0x10f: {  	v21 =	vld.idx.msk [tilespmem:v18+s31+$0x3200 ss:$0x1], $0xffff  }
0x110: {  	v22 =	vld.idx.msk [tilespmem:v18+s31+$0x3280 ss:$0x1], $0xffff  }
0x111: {  	v29 =	vld.idx.msk [tilespmem:v18+s31+$0x3300 ss:$0x1], $0xffff  }
0x112: {  	v24 =	vld.idx.msk [tilespmem:v18+s31+$0x3380 ss:$0x1], $0xffff  }
0x113: {  	v26 =	vld.idx.msk [tilespmem:v18+s31+$0x3000 ss:$0x1], $0xffff  }
0x114: {  	v30 =	vld.idx.msk [tilespmem:v18+s31+$0x3080 ss:$0x1], $0xffff  }
0x115: {  	v25 =	vld.idx.msk [tilespmem:v18+s31+$0x3100 ss:$0x1], $0xffff  }
0x116: {  	v23 =	vld.idx.msk [tilespmem:v18+s31+$0x3180 ss:$0x1], $0xffff  }
0x117: {  	v34 =	vld.idx.msk [tilespmem:v18+s31+$0x2200 ss:$0x1], $0xffff  }
0x118: {  	v36 =	vld.idx.msk [tilespmem:v18+s31+$0x2280 ss:$0x1], $0xffff  }
0x119: {  	v35 =	vld.idx.msk [tilespmem:v18+s31+$0x2300 ss:$0x1], $0xffff  }
0x11a: {  	v31 =	vld.idx.msk [tilespmem:v18+s31+$0x2380 ss:$0x1], $0xffff  }
0x11b: {  	v37 =	vld.idx.msk [tilespmem:v18+s31+$0x2000 ss:$0x1], $0xffff  }
0x11c: {  	v38 =	vld.idx.msk [tilespmem:v18+s31+$0x2080 ss:$0x1], $0xffff  }
0x11d: {  	v42 =	vld.idx.msk [tilespmem:v18+s31+$0x2100 ss:$0x1], $0xffff  }
0x11e: {  	v41 =	vld.idx.msk [tilespmem:v18+s31+$0x2180 ss:$0x1], $0xffff  }
0x11f: {  	v39 =	vld.idx.msk [tilespmem:v18+s31+$0x1200 ss:$0x1], $0xffff  }
0x120: {  	v40 =	vld.idx.msk [tilespmem:v18+s31+$0x1280 ss:$0x1], $0xffff  }
0x121: {  	v45 =	vld.idx.msk [tilespmem:v18+s31+$0x1300 ss:$0x1], $0xffff  }
0x122: {  	v44 =	vld.idx.msk [tilespmem:v18+s31+$0x1380 ss:$0x1], $0xffff  }
0x123: {  	v43 =	vld.idx.msk [tilespmem:v18+s31+$0x1000 ss:$0x1], $0xffff  }
0x124: {  	v51 =	vld.idx.msk [tilespmem:v18+s31+$0x1080 ss:$0x1], $0xffff  }
0x125: {  	v47 =	vld.idx.msk [tilespmem:v18+s31+$0x1100 ss:$0x1], $0xffff  }
0x126: {  	v46 =	vld.idx.msk [tilespmem:v18+s31+$0x1180 ss:$0x1], $0xffff  }
0x127: {  	v52 =	vld.idx.msk [tilespmem:v18+s31+$0x200 ss:$0x1], $0xffff  }
0x128: {  	v50 =	vld.idx.msk [tilespmem:v18+s31+$0x280 ss:$0x1], $0xffff  }
0x129: {  	v48 =	vld.idx.msk [tilespmem:v18+s31+$0x300 ss:$0x1], $0xffff;
	v2 =	vshll.u32 v2, $0x4  }
0x12a: {  	v49 =	vld.idx.msk [tilespmem:v18+s31+$0x380 ss:$0x1], $0xffff;
	v3 =	vshll.u32 v3, $0x4;
	v2 =	vor.u32 v0, v2  }
0x12b: {  	v56 =	vld.idx.msk [tilespmem:v18+s31+$0x0 ss:$0x1], $0xffff;
	v19 =	vshll.u32 v19, $0x4;
	v3 =	vor.u32 v0, v3  }
0x12c: {  	v53 =	vld.idx.msk [tilespmem:v18+s31+$0x80 ss:$0x1], $0xffff;
	v57 =	vor.u32 v0, v19;
	v19 =	vshll.u32 v20, $0x4  }
0x12d: {  	v54 =	vld.idx.msk [tilespmem:v18+s31+$0x100 ss:$0x1], $0xffff;
	v20 =	vshll.u32 v21, $0x4;
	v58 =	vor.u32 v0, v19  }
0x12e: {  	v55 =	vld.idx.msk [tilespmem:v18+s31+$0x180 ss:$0x1], $0xffff;
	v59 =	vor.u32 v0, v20;
	v19 =	vshll.u32 v22, $0x4  }
0x12f: {  	v20 =	vshll.u32 v26, $0x4;
	v60 =	vor.u32 v0, v19;
	v19 =	vld.idx.msk [tilespmem:v2+s14+$0x0], $0xffff  }
0x130: {  	v21 =	vshll.u32 v30, $0x4;
	v2 =	vor.u32 v0, v20;
	v20 =	vld.idx.msk [tilespmem:v3+s14+$0x0], $0xffff  }
0x131: {  	v62 =	vor.u32 v0, v21;
	v3 =	vshll.u32 v34, $0x4;
	v21 =	vld.idx.msk [tilespmem:v57+s14+$0x0], $0xffff  }
0x132: {  	v30 =	vshll.u32 v36, $0x4;
	v3 =	vor.u32 v0, v3;
	v22 =	vld.idx.msk [tilespmem:v58+s14+$0x0], $0xffff  }
0x133: {  	v61 =	vor.u32 v0, v30;
	v58 =	vshll.u32 v37, $0x4;
	v26 =	vld.idx.msk [tilespmem:v59+s14+$0x0], $0xffff  }
0x134: {  	v63 =	vshll.u32 v39, $0x4;
	v59 =	vshll.u32 v38, $0x4;
	v57 =	vor.u32 v0, v58;
	v30 =	vld.idx.msk [tilespmem:v60+s14+$0x0], $0xffff  }
0x135: {  	v36 =	vimm.f32 $0.0e+00;
	v34 =	vimm.f32 $0.0e+00;
	v59 =	vor.u32 v0, v59;
	v39 =	vld.idx.msk [tilespmem:v2+s14+$0x0], $0xffff  }
0x136: {  	v38 =	vimm.f32 $0.0e+00;
	v58 =	vor.u32 v0, v63;
	v2 =	vshll.u32 v40, $0x4;
	v40 =	vld.idx.msk [tilespmem:v62+s14+$0x0], $0xffff  }
0x137: {  	s25 =	simm.s32 $0x14000;
	s24 =	sshll.u32 s22, $0x4;
	v37 =	vimm.f32 $0.0e+00;
	v62 =	vshll.u32 v43, $0x4;
	v60 =	vor.u32 v0, v2;
	v43 =	vld.idx.msk [tilespmem:v3+s14+$0x0], $0xffff  }
.LBB2_15:
0x138: {  	p0 =	sne.s32 s25, $0x50000;
	v2 =	vor.u32 v0, v62;
	v3 =	vshll.u32 v51, $0x4;
	v51 =	vld.idx.msk [tilespmem:v61+s14+$0x0], $0xffff  }
0x139: {  	v52 =	vshll.u32 v52, $0x4;
	v3 =	vor.u32 v0, v3;
	v57 =	vld.idx.msk [tilespmem:v57+s14+$0x0], $0xffff  }
0x13a: {  	v50 =	vshll.u32 v50, $0x4;
	v52 =	vor.u32 v0, v52;
	v59 =	vld.idx.msk [tilespmem:v59+s14+$0x0], $0xffff  }
0x13b: {  	v56 =	vshll.u32 v56, $0x4;
	v50 =	vor.u32 v0, v50;
	v58 =	vld.idx.msk [tilespmem:v58+s14+$0x0], $0xffff  }
0x13c: {  	v53 =	vshll.u32 v53, $0x4;
	v56 =	vor.u32 v0, v56;
	v60 =	vld.idx.msk [tilespmem:v60+s14+$0x0], $0xffff  }
0x13d: {  	v54 =	vshll.u32 v54, $0x4;
	v53 =	vor.u32 v0, v53;
	v2 =	vld.idx.msk [tilespmem:v2+s14+$0x0], $0xffff  }
0x13e: {  	v55 =	vshll.u32 v55, $0x4;
	v54 =	vor.u32 v0, v54;
	v3 =	vld.idx.msk [tilespmem:v3+s14+$0x0], $0xffff  }
0x13f: {  	v48 =	vshll.u32 v48, $0x4;
	v55 =	vor.u32 v0, v55;
	v52 =	vld.idx.msk [tilespmem:v52+s14+$0x0], $0xffff  }
0x140: {  	v49 =	vshll.u32 v49, $0x4;
	v48 =	vor.u32 v0, v48;
	v50 =	vld.idx.msk [tilespmem:v50+s14+$0x0], $0xffff  }
0x141: {  	v47 =	vshll.u32 v47, $0x4;
	v32 =	vshll.u32 v32, $0x4;
	v49 =	vor.u32 v0, v49;
	v56 =	vld.idx.msk [tilespmem:v56+s14+$0x0], $0xffff  }
0x142: {  	v46 =	vshll.u32 v46, $0x4;
	v27 =	vshll.u32 v27, $0x4;
	v47 =	vor.u32 v0, v47;
	v53 =	vld.idx.msk [tilespmem:v53+s14+$0x0], $0xffff  }
0x143: {  	v45 =	vshll.u32 v45, $0x4;
	v33 =	vshll.u32 v33, $0x4;
	v46 =	vor.u32 v0, v46;
	v54 =	vld.idx.msk [tilespmem:v54+s14+$0x0], $0xffff  }
0x144: {  	v44 =	vshll.u32 v44, $0x4;
	v28 =	vshll.u32 v28, $0x4;
	v45 =	vor.u32 v0, v45;
	v55 =	vld.idx.msk [tilespmem:v55+s14+$0x0], $0xffff  }
0x145: {  	v42 =	vshll.u32 v42, $0x4;
	v29 =	vshll.u32 v29, $0x4;
	v44 =	vor.u32 v0, v44;
	v48 =	vld.idx.msk [tilespmem:v48+s14+$0x0], $0xffff  }
0x146: {  	v41 =	vshll.u32 v41, $0x4;
	v24 =	vshll.u32 v24, $0x4;
	v42 =	vor.u32 v0, v42;
	v49 =	vld.idx.msk [tilespmem:v49+s14+$0x0], $0xffff  }
0x147: {  	v35 =	vshll.u32 v35, $0x4;
	v25 =	vshll.u32 v25, $0x4;
	v41 =	vor.u32 v0, v41;
	v47 =	vld.idx.msk [tilespmem:v47+s14+$0x0], $0xffff  }
0x148: {  	v31 =	vshll.u32 v31, $0x4;
	v23 =	vshll.u32 v23, $0x4;
	v35 =	vor.u32 v0, v35;
	v46 =	vld.idx.msk [tilespmem:v46+s14+$0x0], $0xffff  }
0x149: {  	v31 =	vor.u32 v0, v31;
	v34 =	vadd.f32 v56, v34;
	v38 =	vadd.f32 v53, v38;
	v45 =	vld.idx.msk [tilespmem:v45+s14+$0x0], $0xffff  }
0x14a: {  	v25 =	vor.u32 v0, v25;
	v36 =	vadd.f32 v54, v36;
	v37 =	vadd.f32 v55, v37;
	v44 =	vld.idx.msk [tilespmem:v44+s14+$0x0], $0xffff  }
0x14b: {  	v23 =	vor.u32 v0, v23;
	v34 =	vadd.f32 v52, v34;
	v38 =	vadd.f32 v50, v38;
	v42 =	vld.idx.msk [tilespmem:v42+s14+$0x0], $0xffff  }
0x14c: {  	v29 =	vor.u32 v0, v29;
	v36 =	vadd.f32 v48, v36;
	v37 =	vadd.f32 v49, v37;
	v41 =	vld.idx.msk [tilespmem:v41+s14+$0x0], $0xffff  }
0x14d: {  	v24 =	vor.u32 v0, v24;
	v2 =	vadd.f32 v2, v34;
	v3 =	vadd.f32 v3, v38;
	v34 =	vld.idx.msk [tilespmem:v35+s14+$0x0], $0xffff  }
0x14e: {  	v33 =	vor.u32 v0, v33;
	v35 =	vadd.f32 v47, v36;
	v36 =	vadd.f32 v46, v37;
	v31 =	vld.idx.msk [tilespmem:v31+s14+$0x0], $0xffff  }
0x14f: {  	v28 =	vor.u32 v0, v28;
	v2 =	vadd.f32 v58, v2;
	v3 =	vadd.f32 v60, v3;
	v25 =	vld.idx.msk [tilespmem:v25+s14+$0x0], $0xffff  }
0x150: {  	v32 =	vor.u32 v0, v32;
	v35 =	vadd.f32 v45, v35;
	v36 =	vadd.f32 v44, v36;
	v23 =	vld.idx.msk [tilespmem:v23+s14+$0x0], $0xffff  }
0x151: {  	v27 =	vor.u32 v0, v27;
	v2 =	vadd.f32 v57, v2;
	v3 =	vadd.f32 v59, v3;
	v29 =	vld.idx.msk [tilespmem:v29+s14+$0x0], $0xffff  }
0x152: {  	v35 =	vadd.f32 v42, v35;
	v36 =	vadd.f32 v41, v36;
	v24 =	vld.idx.msk [tilespmem:v24+s14+$0x0], $0xffff  }
0x153: {  	v2 =	vadd.f32 v43, v2;
	v3 =	vadd.f32 v51, v3;
	v33 =	vld.idx.msk [tilespmem:v33+s14+$0x0], $0xffff  }
0x154: {  	v34 =	vadd.f32 v34, v35;
	v31 =	vadd.f32 v31, v36;
	v28 =	vld.idx.msk [tilespmem:v28+s14+$0x0], $0xffff  }
0x155: {  	v2 =	vadd.f32 v39, v2;
	v3 =	vadd.f32 v40, v3;
	v35 =	vld.idx.msk [tilespmem:v32+s14+$0x0], $0xffff  }
0x156: {  	s26 =	sshra.s32 s25, $0x2;
	v25 =	vadd.f32 v25, v34;
	v23 =	vadd.f32 v23, v31;
	v31 =	vld.idx.msk [tilespmem:v27+s14+$0x0], $0xffff  }
0x157: {  	v2 =	vadd.f32 v26, v2;
	v3 =	vadd.f32 v30, v3;
	v39 =	vld.idx.msk [tilespmem:v18+s26+$0x4200 ss:$0x1], $0xffff  }
0x158: {  	v25 =	vadd.f32 v29, v25;
	v23 =	vadd.f32 v24, v23;
	v26 =	vld.idx.msk [tilespmem:v18+s26+$0x4280 ss:$0x1], $0xffff  }
0x159: {  	v2 =	vadd.f32 v21, v2;
	v3 =	vadd.f32 v22, v3;
	v32 =	vld.idx.msk [tilespmem:v18+s26+$0x4300 ss:$0x1], $0xffff  }
0x15a: {  	v21 =	vadd.f32 v33, v25;
	v22 =	vadd.f32 v28, v23;
	v27 =	vld.idx.msk [tilespmem:v18+s26+$0x4380 ss:$0x1], $0xffff  }
0x15b: {  	v34 =	vadd.f32 v19, v2;
	v38 =	vadd.f32 v20, v3;
	v30 =	vld.idx.msk [tilespmem:v18+s26+$0x4000 ss:$0x1], $0xffff  }
0x15c: {  	v36 =	vadd.f32 v35, v21;
	v37 =	vadd.f32 v31, v22;
	v2 =	vld.idx.msk [tilespmem:v18+s26+$0x4080 ss:$0x1], $0xffff  }
0x15d: {  	v33 =	vld.idx.msk [tilespmem:v18+s26+$0x4100 ss:$0x1], $0xffff  }
0x15e: {  	v28 =	vld.idx.msk [tilespmem:v18+s26+$0x4180 ss:$0x1], $0xffff  }
0x15f: {  	v3 =	vld.idx.msk [tilespmem:v18+s26+$0x3200 ss:$0x1], $0xffff  }
0x160: {  	v19 =	vld.idx.msk [tilespmem:v18+s26+$0x3280 ss:$0x1], $0xffff  }
0x161: {  	v29 =	vld.idx.msk [tilespmem:v18+s26+$0x3300 ss:$0x1], $0xffff  }
0x162: {  	v24 =	vld.idx.msk [tilespmem:v18+s26+$0x3380 ss:$0x1], $0xffff  }
0x163: {  	v20 =	vld.idx.msk [tilespmem:v18+s26+$0x3000 ss:$0x1], $0xffff  }
0x164: {  	v21 =	vld.idx.msk [tilespmem:v18+s26+$0x3080 ss:$0x1], $0xffff  }
0x165: {  	v25 =	vld.idx.msk [tilespmem:v18+s26+$0x3100 ss:$0x1], $0xffff  }
0x166: {  	v23 =	vld.idx.msk [tilespmem:v18+s26+$0x3180 ss:$0x1], $0xffff  }
0x167: {  	v22 =	vld.idx.msk [tilespmem:v18+s26+$0x2200 ss:$0x1], $0xffff  }
0x168: {  	v40 =	vld.idx.msk [tilespmem:v18+s26+$0x2280 ss:$0x1], $0xffff  }
0x169: {  	v35 =	vld.idx.msk [tilespmem:v18+s26+$0x2300 ss:$0x1], $0xffff  }
0x16a: {  	v31 =	vld.idx.msk [tilespmem:v18+s26+$0x2380 ss:$0x1], $0xffff  }
0x16b: {  	v43 =	vld.idx.msk [tilespmem:v18+s26+$0x2000 ss:$0x1], $0xffff  }
0x16c: {  	v58 =	vld.idx.msk [tilespmem:v18+s26+$0x2080 ss:$0x1], $0xffff  }
0x16d: {  	v42 =	vld.idx.msk [tilespmem:v18+s26+$0x2100 ss:$0x1], $0xffff  }
0x16e: {  	v41 =	vld.idx.msk [tilespmem:v18+s26+$0x2180 ss:$0x1], $0xffff  }
0x16f: {  	v59 =	vld.idx.msk [tilespmem:v18+s26+$0x1200 ss:$0x1], $0xffff  }
0x170: {  	v60 =	vld.idx.msk [tilespmem:v18+s26+$0x1280 ss:$0x1], $0xffff  }
0x171: {  	v45 =	vld.idx.msk [tilespmem:v18+s26+$0x1300 ss:$0x1], $0xffff  }
0x172: {  	v44 =	vld.idx.msk [tilespmem:v18+s26+$0x1380 ss:$0x1], $0xffff  }
0x173: {  	v62 =	vld.idx.msk [tilespmem:v18+s26+$0x1000 ss:$0x1], $0xffff  }
0x174: {  	v51 =	vld.idx.msk [tilespmem:v18+s26+$0x1080 ss:$0x1], $0xffff  }
0x175: {  	v47 =	vld.idx.msk [tilespmem:v18+s26+$0x1100 ss:$0x1], $0xffff  }
0x176: {  	v46 =	vld.idx.msk [tilespmem:v18+s26+$0x1180 ss:$0x1], $0xffff  }
0x177: {  	v52 =	vld.idx.msk [tilespmem:v18+s26+$0x200 ss:$0x1], $0xffff  }
0x178: {  	v50 =	vld.idx.msk [tilespmem:v18+s26+$0x280 ss:$0x1], $0xffff  }
0x179: {  	v39 =	vshll.u32 v39, $0x4;
	v48 =	vld.idx.msk [tilespmem:v18+s26+$0x300 ss:$0x1], $0xffff  }
0x17a: {  	v39 =	vor.u32 v0, v39;
	v26 =	vshll.u32 v26, $0x4;
	v49 =	vld.idx.msk [tilespmem:v18+s26+$0x380 ss:$0x1], $0xffff  }
0x17b: {  	v26 =	vor.u32 v0, v26;
	v30 =	vshll.u32 v30, $0x4;
	v56 =	vld.idx.msk [tilespmem:v18+s26+$0x0 ss:$0x1], $0xffff  }
0x17c: {  	v30 =	vor.u32 v0, v30;
	v2 =	vshll.u32 v2, $0x4;
	v53 =	vld.idx.msk [tilespmem:v18+s26+$0x80 ss:$0x1], $0xffff  }
0x17d: {  	v2 =	vor.u32 v0, v2;
	v3 =	vshll.u32 v3, $0x4;
	v54 =	vld.idx.msk [tilespmem:v18+s26+$0x100 ss:$0x1], $0xffff  }
0x17e: {  	v3 =	vor.u32 v0, v3;
	v19 =	vshll.u32 v19, $0x4;
	v55 =	vld.idx.msk [tilespmem:v18+s26+$0x180 ss:$0x1], $0xffff  }
0x17f: {  	v63 =	vor.u32 v0, v19;
	v20 =	vshll.u32 v20, $0x4;
	v19 =	vld.idx.msk [tilespmem:v39+s14+$0x0], $0xffff  }
0x180: {  	v21 =	vshll.u32 v21, $0x4;
	v39 =	vor.u32 v0, v20;
	v20 =	vld.idx.msk [tilespmem:v26+s14+$0x0], $0xffff  }
0x181: {  	v4 =	vor.u32 v0, v21;
	v22 =	vshll.u32 v22, $0x4;
	v21 =	vld.idx.msk [tilespmem:v30+s14+$0x0], $0xffff  }
0x182: {  	v5 =	vor.u32 v0, v22;
	v26 =	vshll.u32 v40, $0x4;
	v22 =	vld.idx.msk [tilespmem:v2+s14+$0x0], $0xffff  }
.Ltmp6:
0x183: {  	v61 =	vor.u32 v0, v26;
	v2 =	vshll.u32 v43, $0x4;
	v26 =	vld.idx.msk [tilespmem:v3+s14+$0x0], $0xffff;
	(pc) =	sbr.rel @p0 .LBB2_15-.Ltmp6, $4  }
0x184: {  	v57 =	vor.u32 v0, v2;
	v2 =	vshll.u32 v58, $0x4;
	v30 =	vld.idx.msk [tilespmem:v63+s14+$0x0], $0xffff  }
0x185: {  	v3 =	vshll.u32 v59, $0x4;
	v59 =	vor.u32 v0, v2;
	v39 =	vld.idx.msk [tilespmem:v39+s14+$0x0], $0xffff  }
0x186: {  	v58 =	vor.u32 v0, v3;
	v2 =	vshll.u32 v60, $0x4;
	v40 =	vld.idx.msk [tilespmem:v4+s14+$0x0], $0xffff  }
0x187: {  	s25 =	sadd.s32 $0x14000, s25;
	v62 =	vshll.u32 v62, $0x4;
	v60 =	vor.u32 v0, v2;
	v43 =	vld.idx.msk [tilespmem:v5+s14+$0x0], $0xffff  }
0x188: {  	_ =	sdelay $0x3  }
0x189: {  	v2 =	vor.u32 v0, v62;
	v3 =	vshll.u32 v51, $0x4;
	v4 =	vld.idx.msk [tilespmem:v61+s14+$0x0], $0xffff  }
0x18a: {  	v5 =	vshll.u32 v52, $0x4;
	v18 =	vld.idx.msk [tilespmem:v57+s14+$0x0], $0xffff;
	v3 =	vor.u32 v0, v3  }
0x18b: {  	v50 =	vshll.u32 v50, $0x4;
	v51 =	vld.idx.msk [tilespmem:v59+s14+$0x0], $0xffff;
	v5 =	vor.u32 v0, v5  }
0x18c: {  	v61 =	vshll.u32 v56, $0x4;
	v62 =	vld.idx.msk [tilespmem:v58+s14+$0x0], $0xffff;
	v50 =	vor.u32 v0, v50  }
0x18d: {  	v53 =	vshll.u32 v53, $0x4;
	v63 =	vld.idx.msk [tilespmem:v60+s14+$0x0], $0xffff;
	v52 =	vor.u32 v0, v61  }
0x18e: {  	v54 =	vshll.u32 v54, $0x4;
	v53 =	vor.u32 v0, v53;
	v2 =	vld.idx.msk [tilespmem:v2+s14+$0x0], $0xffff  }
0x18f: {  	v55 =	vshll.u32 v55, $0x4;
	v54 =	vor.u32 v0, v54;
	v3 =	vld.idx.msk [tilespmem:v3+s14+$0x0], $0xffff  }
0x190: {  	v48 =	vshll.u32 v48, $0x4;
	v49 =	vshll.u32 v49, $0x4;
	v55 =	vor.u32 v0, v55;
	v5 =	vld.idx.msk [tilespmem:v5+s14+$0x0], $0xffff  }
0x191: {  	v47 =	vshll.u32 v47, $0x4;
	v32 =	vshll.u32 v32, $0x4;
	v48 =	vor.u32 v0, v48;
	v50 =	vld.idx.msk [tilespmem:v50+s14+$0x0], $0xffff  }
0x192: {  	v46 =	vshll.u32 v46, $0x4;
	v27 =	vshll.u32 v27, $0x4;
	v49 =	vor.u32 v0, v49;
	v52 =	vld.idx.msk [tilespmem:v52+s14+$0x0], $0xffff  }
0x193: {  	v45 =	vshll.u32 v45, $0x4;
	v33 =	vshll.u32 v33, $0x4;
	v47 =	vor.u32 v0, v47;
	v53 =	vld.idx.msk [tilespmem:v53+s14+$0x0], $0xffff  }
0x194: {  	v44 =	vshll.u32 v44, $0x4;
	v28 =	vshll.u32 v28, $0x4;
	v46 =	vor.u32 v0, v46;
	v54 =	vld.idx.msk [tilespmem:v54+s14+$0x0], $0xffff  }
0x195: {  	v42 =	vshll.u32 v42, $0x4;
	v29 =	vshll.u32 v29, $0x4;
	v45 =	vor.u32 v0, v45;
	v55 =	vld.idx.msk [tilespmem:v55+s14+$0x0], $0xffff  }
0x196: {  	v41 =	vshll.u32 v41, $0x4;
	v24 =	vshll.u32 v24, $0x4;
	v44 =	vor.u32 v0, v44;
	v48 =	vld.idx.msk [tilespmem:v48+s14+$0x0], $0xffff  }
0x197: {  	v35 =	vshll.u32 v35, $0x4;
	v25 =	vshll.u32 v25, $0x4;
	v41 =	vor.u32 v0, v41;
	v49 =	vld.idx.msk [tilespmem:v49+s14+$0x0], $0xffff  }
0x198: {  	v31 =	vshll.u32 v31, $0x4;
	v23 =	vshll.u32 v23, $0x4;
	v42 =	vor.u32 v0, v42;
	v47 =	vld.idx.msk [tilespmem:v47+s14+$0x0], $0xffff  }
0x199: {  	v31 =	vor.u32 v0, v31;
	v46 =	vld.idx.msk [tilespmem:v46+s14+$0x0], $0xffff;
	v34 =	vadd.f32 v52, v34;
	v38 =	vadd.f32 v53, v38  }
0x19a: {  	v35 =	vor.u32 v0, v35;
	v45 =	vld.idx.msk [tilespmem:v45+s14+$0x0], $0xffff;
	v36 =	vadd.f32 v54, v36;
	v37 =	vadd.f32 v55, v37  }
0x19b: {  	v25 =	vor.u32 v0, v25;
	v44 =	vld.idx.msk [tilespmem:v44+s14+$0x0], $0xffff;
	v5 =	vadd.f32 v5, v34;
	v53 =	vadd.f32 v50, v38  }
0x19c: {  	v23 =	vor.u32 v0, v23;
	v41 =	vld.idx.msk [tilespmem:v41+s14+$0x0], $0xffff;
	v36 =	vadd.f32 v48, v36;
	v37 =	vadd.f32 v49, v37  }
0x19d: {  	v24 =	vor.u32 v0, v24;
	v54 =	vld.idx.msk [tilespmem:v42+s14+$0x0], $0xffff;
	v2 =	vadd.f32 v2, v5;
	v3 =	vadd.f32 v3, v53  }
0x19e: {  	v29 =	vor.u32 v0, v29;
	v31 =	vld.idx.msk [tilespmem:v31+s14+$0x0], $0xffff;
	v55 =	vadd.f32 v47, v36;
	v58 =	vadd.f32 v46, v37  }
0x19f: {  	v28 =	vor.u32 v0, v28;
	v5 =	vld.idx.msk [tilespmem:v35+s14+$0x0], $0xffff;
	v2 =	vadd.f32 v62, v2;
	v3 =	vadd.f32 v63, v3  }
0x1a0: {  	v33 =	vor.u32 v0, v33;
	v25 =	vld.idx.msk [tilespmem:v25+s14+$0x0], $0xffff;
	v34 =	vadd.f32 v45, v55;
	v35 =	vadd.f32 v44, v58  }
0x1a1: {  	v32 =	vor.u32 v0, v32;
	v23 =	vld.idx.msk [tilespmem:v23+s14+$0x0], $0xffff;
	v2 =	vadd.f32 v18, v2;
	v3 =	vadd.f32 v51, v3  }
0x1a2: {  	v27 =	vor.u32 v0, v27;
	v24 =	vld.idx.msk [tilespmem:v24+s14+$0x0], $0xffff;
	v59 =	vadd.f32 v54, v34;
	v60 =	vadd.f32 v41, v35  }
0x1a3: {  	v18 =	vld.idx.msk [tilespmem:v29+s14+$0x0], $0xffff;
	v2 =	vadd.f32 v43, v2;
	v3 =	vadd.f32 v4, v3  }
0x1a4: {  	v28 =	vld.idx.msk [tilespmem:v28+s14+$0x0], $0xffff;
	v5 =	vadd.f32 v5, v59;
	v61 =	vadd.f32 v31, v60  }
0x1a5: {  	v4 =	vld.idx.msk [tilespmem:v33+s14+$0x0], $0xffff;
	v2 =	vadd.f32 v39, v2;
	v3 =	vadd.f32 v40, v3  }
0x1a6: {  	v62 =	vld.idx.msk [tilespmem:v32+s14+$0x0], $0xffff;
	v5 =	vadd.f32 v25, v5;
	v23 =	vadd.f32 v23, v61  }
0x1a7: {  	v63 =	vld.idx.msk [tilespmem:v27+s14+$0x0], $0xffff;
	v2 =	vadd.f32 v26, v2;
	v3 =	vadd.f32 v30, v3  }
0x1a8: {  	v5 =	vadd.f32 v18, v5;
	v18 =	vadd.f32 v24, v23  }
0x1a9: {  	v2 =	vadd.f32 v21, v2;
	v3 =	vadd.f32 v22, v3  }
0x1aa: {  	v4 =	vadd.f32 v4, v5;
	v5 =	vadd.f32 v28, v18  }
0x1ab: {  	v2 =	vadd.f32 v19, v2;
	v3 =	vadd.f32 v20, v3  }
0x1ac: {  	v4 =	vadd.f32 v62, v4;
	v5 =	vadd.f32 v63, v5  }
0x1ad: {  	v18 =	vld [tilespmem:s24+$0x19180]  }
0x1ae: {  	s22 =	sadd.s32 $0x1, s22;
	v2 =	vadd.f32 v3, v2;
	v3 =	vadd.f32 v5, v4  }
0x1af: {  	p0 =	sne.s32 s22, $0x20  }
.Ltmp7:
0x1b0: {  	v2 =	vadd.f32 v3, v2;
	(pc) =	sbr.rel @p0 .LBB2_14-.Ltmp7, $3  }
0x1b1: {  	_ = 	snop  }
0x1b2: {  	v2 =	vadd.f32 v18, v2;
	_ =	sdelay $0x1  }
0x1b3: {  	s23 =	sadd.s32 $0x80, s23;
	s21 =	sadd.s32 $0x1, s21;
	[tilespmem:s24+$0x19380] =	vst v2  }
0x1b4: {  	[hbm4b:s9+s3] =	stream.linear.scatter [tilespmem:s17], [sflag:$0x5], $0x200, $0x38;
	[tilespmem:$0x19580] =	vst v63  }
0x1b5: {  	_ =	swait.ge [sflag:s12], $0x200  }
0x1b6: {  	[sflag:s12] =	ssyncset.done $0x0  }
0x1b7: {  	s20 =	sadd.s32 $0x1, s20;
	[sflag:s12] =	ssyncadd.s32 $0xFFFFFE00  }
0x1b8: {  	p0 =	sne.s32 s20, s10;
	_ =	swait.ge [sflag:s18], $0xC800  }
.Ltmp8:
0x1b9: {  	[sflag:s18] =	ssyncset.done $0x0;
	(pc) =	sbr.rel @p0 .LBB2_1-.Ltmp8, $4  }
0x1ba: {  	[sflag:s18] =	ssyncadd.s32 $0xFFFF3800  }
0x1bb: {  	_ =	swait.ge [sflag:s19], $0xC800  }
0x1bc: {  	[sflag:s19] =	ssyncset.done $0x0  }
0x1bd: {  	[sflag:s19] =	ssyncadd.s32 $0xFFFF3800  }
0x1be: {  	_ =	sfence.sel $0x180000  }
0x1bf: {  	[bflag:$0x0] =	sbarrier.arrive $0xFFFF  }
0x1c0: {  	p0 =	sne.s32 s2, $0x0;
	_ =	strace $0x90000047  }
0x1c1: {  	s0 =	sadd.s32 @!p0 $0x100000, s0;
	[bflag:$0x2] =	sbarrier.arrive $0xFFFF  }
0x1c2: {  	[sflag:s0] =	ssyncadd.tile.s32 @!p0 $0x1;
	_ =	shalt  }
.Lfunc_end2:
_tile_overlayer_lowered:
.L_overlay_start_2:
0x1c3: {  	(tag) =	ssettag $0x2  }
0x1c4: {  	s0 =	rddreg [dreg:$0x0];
	s2 =	stileid.u32  }
0x1c5: {  	s1 =	rddreg [dreg:$0x1];
	p0 =	sne.s32 s2, $0x0  }
0x1c6: {  	s3 =	rddreg [dreg:$0x2];
	[bflag:$0x3] =	sbarrier.arrive $0xFFFF;
	s2 =	simm.s32 @!p0 $0x1C05  }
0x1c7: {  	[timem:s3], [sflag:s2] =	dma.local @!p0 [hbm:s0], s1  }
0x1c8: {  	s0 =	simm.s32 @!p0 $0x5  }
0x1c9: {  	_ =	swait.ge @!p0 [sflag:s0], s1  }
0x1ca: {  	s1 =	ssub.s32 @!p0 $0x0, s1;
	[sflag:s0] =	ssyncset.done @!p0 $0x0  }
0x1cb: {  	[sflag:s0] =	ssyncadd.s32 @!p0 s1  }
0x1cc: {  	[bflag:$0x3] =	sbarrier.arrive $0xFFFF  }
0x1cd: {  	_ =	shalt  }

</sc_bundles>
